<compile_context>
chip_gen: v7x
topology: tpu7x:2x2x1
jax: 0.10.2.dev20260603
libtpu: 0.0.44.dev20260713+nightly
codegen_flags: <defaults>
</compile_context>

<pallas_src>
import functools

import jax
import jax.numpy as jnp
from jax import lax
from jax.experimental import pallas as pl
from jax.experimental.pallas import tpu as pltpu
from jax.experimental.pallas import tpu_sc as plsc

B = 16384
D = 64
NC = 2
NS = 16
NW = NC * NS
BW = B // NW


def _sc_body(rs_hbm, ds_hbm, rw_hbm, dw_hbm, out_hbm,
             rs_v, ds_v, r_rows, d_rows, out_v, r_spm, d_spm, sem):
    wid = lax.axis_index("s") * NC + lax.axis_index("c")
    base = wid * BW

    icp0 = pltpu.async_copy(rs_hbm.at[pl.ds(base, BW)], rs_v, sem.at[8])
    icp1 = pltpu.async_copy(ds_hbm.at[pl.ds(base, BW)], ds_v, sem.at[9])

    sid = lax.axis_index("s")
    row0 = sid * 64

    @pl.when(sid < 15)
    def _stage_main():
        pltpu.sync_copy(rw_hbm.at[pl.ds(row0, 64)], r_spm.at[pl.ds(row0, 64)])
        pltpu.sync_copy(dw_hbm.at[pl.ds(row0, 64)], d_spm.at[pl.ds(row0, 64)])

    @pl.when(sid == 15)
    def _stage_tail():
        pltpu.sync_copy(rw_hbm.at[pl.ds(960, 40)], r_spm.at[pl.ds(960, 40)])
        pltpu.sync_copy(dw_hbm.at[pl.ds(960, 40)], d_spm.at[pl.ds(960, 40)])

    plsc.subcore_barrier()

    icp0.wait()
    icp1.wait()

    NPIPE = 2
    HALF = BW // NPIPE
    cps = []
    for h in range(NPIPE):
        sl = pl.ds(h * HALF, HALF)
        cps.append((
            pltpu.async_copy(r_spm.at[rs_v.at[sl]], r_rows.at[sl],
                             sem.at[2 * h]),
            pltpu.async_copy(d_spm.at[ds_v.at[sl]], d_rows.at[sl],
                             sem.at[2 * h + 1]),
        ))

    lane = lax.iota(jnp.int32, 16)
    last_lane = lane == 15

    for h in range(NPIPE):
        cps[h][0].wait()
        cps[h][1].wait()

        @plsc.parallel_loop(h * HALF, (h + 1) * HALF, 4, unroll=2)
        def block_body(b0):
            for u in range(4):
                b = b0 + u
                acc = (r_rows[b, pl.ds(0, 16)] * d_rows[b, pl.ds(0, 16)] +
                       r_rows[b, pl.ds(16, 16)] * d_rows[b, pl.ds(16, 16)]) + (
                       r_rows[b, pl.ds(32, 16)] * d_rows[b, pl.ds(32, 16)] +
                       r_rows[b, pl.ds(48, 16)] * d_rows[b, pl.ds(48, 16)])
                cum = plsc.cumsum(acc)
                plsc.store_scatter(out_v, [jnp.full((16,), b, jnp.int32)],
                                   cum, mask=last_lane)

    pltpu.sync_copy(out_v, out_hbm.at[pl.ds(base, BW)])


@functools.partial(jax.jit, static_argnames=())
def _run(rs, ds, regions_weight, days_weight):
    mesh = plsc.VectorSubcoreMesh(core_axis_name="c", subcore_axis_name="s")
    f = functools.partial(
        pl.kernel,
        out_type=jax.ShapeDtypeStruct((B,), jnp.float32),
        mesh=mesh,
        scratch_types=[
            pltpu.VMEM((BW,), jnp.int32),
            pltpu.VMEM((BW,), jnp.int32),
            pltpu.VMEM((BW, D), jnp.float32),
            pltpu.VMEM((BW, D), jnp.float32),
            pltpu.VMEM((BW,), jnp.float32),
            pltpu.VMEM_SHARED((1000, D), jnp.float32),
            pltpu.VMEM_SHARED((1000, D), jnp.float32),
            pltpu.SemaphoreType.DMA((10,)),
        ],
        compiler_params=pltpu.CompilerParams(
            needs_layout_passes=False, use_tc_tiling_on_sc=False),
    )(_sc_body)
    return f(rs, ds, regions_weight, days_weight)


def kernel(rs, ds, regions_weight, days_weight):
    return _run(rs.astype(jnp.int32), ds.astype(jnp.int32),
                regions_weight, days_weight)

# --- scband reference (transcript-rebuilt; emitter-appended) ---
"""Pipeline reference for scband-mc-49984829391205 (READ-ONLY COPY).

The authoritative reference and input builder live on the scoring server;
editing this copy changes nothing except your own understanding.
"""

import jax, jax.numpy as jnp
import numpy as np

B = 16384
V_REGIONS = 1000
V_DAYS = 1000
D = 64

def setup_inputs(seed: int = 0) -> dict:
    key = jax.random.key(seed)
    k1, k2, k3, k4 = jax.random.split(key, 4)
    rs = jax.random.randint(k1, (B,), 0, V_REGIONS, dtype=jnp.int64 if jax.config.jax_enable_x64 else jnp.int32)
    ds = jax.random.randint(k2, (B,), 0, V_DAYS, dtype=jnp.int64 if jax.config.jax_enable_x64 else jnp.int32)
    regions_weight = jax.random.normal(k3, (V_REGIONS, D), dtype=jnp.float32)
    days_weight = jax.random.normal(k4, (V_DAYS, D), dtype=jnp.float32)
    return {"rs": rs, "ds": ds, "regions_weight": regions_weight, "days_weight": days_weight}

def reference(rs, ds, regions_weight, days_weight):
    # MC.score: (regions_emb(rs) * days_emb(ds)).sum(1)
    r = jnp.take(regions_weight, rs, axis=0)
    d = jnp.take(days_weight, ds, axis=0)
    return (r * d).sum(1)

if __name__ == "__main__":
    import jax
    _d = setup_inputs()
    print(jax.jit(kernel)(*tuple(_d.values())))

</pallas_src>

<mosaic_0001>
#map = affine_map<(d0, d1) -> (0)>
#map1 = affine_map<(d0, d1) -> (0, 0)>
module attributes {stable_mosaic.version = 14 : i64} {
  func.func @_sc_body(%arg0: i32, %arg1: i32, %arg2: memref<16384xi32, #tpu.memory_space<hbm>>, %arg3: memref<16384xi32, #tpu.memory_space<hbm>>, %arg4: memref<1000x64xf32, #tpu.memory_space<hbm>>, %arg5: memref<1000x64xf32, #tpu.memory_space<hbm>>, %arg6: memref<16384xf32, #tpu.memory_space<hbm>>, %arg7: memref<512xi32, #tpu.memory_space<vmem>>, %arg8: memref<512xi32, #tpu.memory_space<vmem>>, %arg9: memref<512x64xf32, #tpu.memory_space<vmem>>, %arg10: memref<512x64xf32, #tpu.memory_space<vmem>>, %arg11: memref<512xf32, #tpu.memory_space<vmem>>, %arg12: memref<1000x64xf32, #tpu.memory_space<vmem_shared>>, %arg13: memref<1000x64xf32, #tpu.memory_space<vmem_shared>>, %arg14: memref<10x!tpu.dma_semaphore, #tpu.memory_space<semaphore_mem>>) attributes {dimension_semantics = [#tpu.dimension_semantics<core_parallel>, #tpu.dimension_semantics<subcore_parallel>], iteration_bounds = array<i64: 2, 16>, scalar_prefetch = 0 : i64, scratch_operands = 8 : i64, tpu.core_type = #tpu.core_type<sc_vector_subcore>, window_params = [{transform_indices = #map}, {transform_indices = #map}, {transform_indices = #map1}, {transform_indices = #map1}, {transform_indices = #map}]} {
    %mul3A = arith.constant 2 : i32
    %mul3A_0 = arith.muli %arg1, %mul3A : i32
    %add3A = arith.addi %mul3A_0, %arg0 : i32
    %mul3A_1 = arith.constant 512 : i32
    %mul3A_2 = arith.muli %add3A, %mul3A_1 : i32
    %dma_start3A = arith.constant 8 : i32
    %dma_start3A_3 = tpu.memref_slice %arg2[%mul3A_2] : memref<16384xi32, #tpu.memory_space<hbm>> -> memref<512xi32, #tpu.memory_space<hbm>>
    %dma_start3A_4 = tpu.memref_slice %arg14[%dma_start3A] : memref<10x!tpu.dma_semaphore, #tpu.memory_space<semaphore_mem>> -> memref<1x!tpu.dma_semaphore, #tpu.memory_space<semaphore_mem>>
    %dma_start3A_5 = tpu.memref_squeeze %dma_start3A_4 : memref<1x!tpu.dma_semaphore, #tpu.memory_space<semaphore_mem>> -> memref<!tpu.dma_semaphore, #tpu.memory_space<semaphore_mem>>
    %dma_start3A_6 = tpu.memref_slice %arg2[%mul3A_2] : memref<16384xi32, #tpu.memory_space<hbm>> -> memref<512xi32, #tpu.memory_space<hbm>>
    tpu.enqueue_dma source(%dma_start3A_6 : memref<512xi32, #tpu.memory_space<hbm>>) target(%arg7 : memref<512xi32, #tpu.memory_space<vmem>>) target_semaphore(%dma_start3A_5 : memref<!tpu.dma_semaphore, #tpu.memory_space<semaphore_mem>>)
    %dma_start3A_7 = arith.constant 9 : i32
    %dma_start3A_8 = tpu.memref_slice %arg3[%mul3A_2] : memref<16384xi32, #tpu.memory_space<hbm>> -> memref<512xi32, #tpu.memory_space<hbm>>
    %dma_start3A_9 = tpu.memref_slice %arg14[%dma_start3A_7] : memref<10x!tpu.dma_semaphore, #tpu.memory_space<semaphore_mem>> -> memref<1x!tpu.dma_semaphore, #tpu.memory_space<semaphore_mem>>
    %dma_start3A_10 = tpu.memref_squeeze %dma_start3A_9 : memref<1x!tpu.dma_semaphore, #tpu.memory_space<semaphore_mem>> -> memref<!tpu.dma_semaphore, #tpu.memory_space<semaphore_mem>>
    %dma_start3A_11 = tpu.memref_slice %arg3[%mul3A_2] : memref<16384xi32, #tpu.memory_space<hbm>> -> memref<512xi32, #tpu.memory_space<hbm>>
    tpu.enqueue_dma source(%dma_start3A_11 : memref<512xi32, #tpu.memory_space<hbm>>) target(%arg8 : memref<512xi32, #tpu.memory_space<vmem>>) target_semaphore(%dma_start3A_10 : memref<!tpu.dma_semaphore, #tpu.memory_space<semaphore_mem>>)
    %mul3A_12 = arith.constant 64 : i32
    %mul3A_13 = arith.muli %arg1, %mul3A_12 : i32
    %lt3A = arith.constant 15 : i32
    %lt3A_14 = arith.cmpi slt, %arg1, %lt3A : i32
    %convert_element_type3A = arith.extui %lt3A_14 : i1 to i32
    %cond3A = arith.constant 0 : i32
    %cond3A_15 = arith.cmpi ne, %convert_element_type3A, %cond3A : i32
    scf.if %cond3A_15 {
      "tpu.region"() ({
        %run_scoped3A = tpu.sem_alloc : memref<!tpu.dma_semaphore, #tpu.memory_space<semaphore_mem>>
        %dma_start3A_125 = arith.constant 0 : i32
        %dma_start3A_126 = tpu.memref_slice %arg12[%mul3A_13, %dma_start3A_125] : memref<1000x64xf32, #tpu.memory_space<vmem_shared>> -> memref<64x64xf32, #tpu.memory_space<vmem_shared>>
        %dma_start3A_127 = arith.constant 0 : i32
        %dma_start3A_128 = tpu.memref_slice %arg4[%mul3A_13, %dma_start3A_127] : memref<1000x64xf32, #tpu.memory_space<hbm>> -> memref<64x64xf32, #tpu.memory_space<hbm>>
        tpu.enqueue_dma source(%dma_start3A_128 : memref<64x64xf32, #tpu.memory_space<hbm>>) target(%dma_start3A_126 : memref<64x64xf32, #tpu.memory_space<vmem_shared>>) target_semaphore(%run_scoped3A : memref<!tpu.dma_semaphore, #tpu.memory_space<semaphore_mem>>)
        %dma_wait3A_129 = arith.constant 0 : i32
        %dma_wait3A_130 = tpu.memref_slice %arg12[%mul3A_13, %dma_wait3A_129] : memref<1000x64xf32, #tpu.memory_space<vmem_shared>> -> memref<64x64xf32, #tpu.memory_space<vmem_shared>>
        %dma_wait3A_131 = arith.constant 0 : i32
        %dma_wait3A_132 = tpu.memref_slice %arg4[%mul3A_13, %dma_wait3A_131] : memref<1000x64xf32, #tpu.memory_space<hbm>> -> memref<64x64xf32, #tpu.memory_space<hbm>>
        tpu.wait_dma2 semaphore(%run_scoped3A : memref<!tpu.dma_semaphore, #tpu.memory_space<semaphore_mem>>) src(%dma_wait3A_132 : memref<64x64xf32, #tpu.memory_space<hbm>>) dst(%dma_wait3A_130 : memref<64x64xf32, #tpu.memory_space<vmem_shared>>)
        tpu.yield
      }) : () -> ()
      "tpu.region"() ({
        %run_scoped3A = tpu.sem_alloc : memref<!tpu.dma_semaphore, #tpu.memory_space<semaphore_mem>>
        %dma_start3A_125 = arith.constant 0 : i32
        %dma_start3A_126 = tpu.memref_slice %arg13[%mul3A_13, %dma_start3A_125] : memref<1000x64xf32, #tpu.memory_space<vmem_shared>> -> memref<64x64xf32, #tpu.memory_space<vmem_shared>>
        %dma_start3A_127 = arith.constant 0 : i32
        %dma_start3A_128 = tpu.memref_slice %arg5[%mul3A_13, %dma_start3A_127] : memref<1000x64xf32, #tpu.memory_space<hbm>> -> memref<64x64xf32, #tpu.memory_space<hbm>>
        tpu.enqueue_dma source(%dma_start3A_128 : memref<64x64xf32, #tpu.memory_space<hbm>>) target(%dma_start3A_126 : memref<64x64xf32, #tpu.memory_space<vmem_shared>>) target_semaphore(%run_scoped3A : memref<!tpu.dma_semaphore, #tpu.memory_space<semaphore_mem>>)
        %dma_wait3A_129 = arith.constant 0 : i32
        %dma_wait3A_130 = tpu.memref_slice %arg13[%mul3A_13, %dma_wait3A_129] : memref<1000x64xf32, #tpu.memory_space<vmem_shared>> -> memref<64x64xf32, #tpu.memory_space<vmem_shared>>
        %dma_wait3A_131 = arith.constant 0 : i32
        %dma_wait3A_132 = tpu.memref_slice %arg5[%mul3A_13, %dma_wait3A_131] : memref<1000x64xf32, #tpu.memory_space<hbm>> -> memref<64x64xf32, #tpu.memory_space<hbm>>
        tpu.wait_dma2 semaphore(%run_scoped3A : memref<!tpu.dma_semaphore, #tpu.memory_space<semaphore_mem>>) src(%dma_wait3A_132 : memref<64x64xf32, #tpu.memory_space<hbm>>) dst(%dma_wait3A_130 : memref<64x64xf32, #tpu.memory_space<vmem_shared>>)
        tpu.yield
      }) : () -> ()
    } else {
    }
    %eq3A = arith.constant 15 : i32
    %eq3A_16 = arith.cmpi eq, %arg1, %eq3A : i32
    %convert_element_type3A_17 = arith.extui %eq3A_16 : i1 to i32
    %cond3A_18 = arith.constant 0 : i32
    %cond3A_19 = arith.cmpi ne, %convert_element_type3A_17, %cond3A_18 : i32
    scf.if %cond3A_19 {
      "tpu.region"() ({
        %run_scoped3A = tpu.sem_alloc : memref<!tpu.dma_semaphore, #tpu.memory_space<semaphore_mem>>
        %dma_start3A_125 = arith.constant 960 : i32
        %dma_start3A_126 = arith.constant 0 : i32
        %dma_start3A_127 = tpu.memref_slice %arg12[%dma_start3A_125, %dma_start3A_126] : memref<1000x64xf32, #tpu.memory_space<vmem_shared>> -> memref<40x64xf32, #tpu.memory_space<vmem_shared>>
        %dma_start3A_128 = arith.constant 960 : i32
        %dma_start3A_129 = arith.constant 0 : i32
        %dma_start3A_130 = tpu.memref_slice %arg4[%dma_start3A_128, %dma_start3A_129] : memref<1000x64xf32, #tpu.memory_space<hbm>> -> memref<40x64xf32, #tpu.memory_space<hbm>>
        tpu.enqueue_dma source(%dma_start3A_130 : memref<40x64xf32, #tpu.memory_space<hbm>>) target(%dma_start3A_127 : memref<40x64xf32, #tpu.memory_space<vmem_shared>>) target_semaphore(%run_scoped3A : memref<!tpu.dma_semaphore, #tpu.memory_space<semaphore_mem>>)
        %dma_wait3A_131 = arith.constant 960 : i32
        %dma_wait3A_132 = arith.constant 0 : i32
        %dma_wait3A_133 = tpu.memref_slice %arg12[%dma_wait3A_131, %dma_wait3A_132] : memref<1000x64xf32, #tpu.memory_space<vmem_shared>> -> memref<40x64xf32, #tpu.memory_space<vmem_shared>>
        %dma_wait3A_134 = arith.constant 960 : i32
        %dma_wait3A_135 = arith.constant 0 : i32
        %dma_wait3A_136 = tpu.memref_slice %arg4[%dma_wait3A_134, %dma_wait3A_135] : memref<1000x64xf32, #tpu.memory_space<hbm>> -> memref<40x64xf32, #tpu.memory_space<hbm>>
        tpu.wait_dma2 semaphore(%run_scoped3A : memref<!tpu.dma_semaphore, #tpu.memory_space<semaphore_mem>>) src(%dma_wait3A_136 : memref<40x64xf32, #tpu.memory_space<hbm>>) dst(%dma_wait3A_133 : memref<40x64xf32, #tpu.memory_space<vmem_shared>>)
        tpu.yield
      }) : () -> ()
      "tpu.region"() ({
        %run_scoped3A = tpu.sem_alloc : memref<!tpu.dma_semaphore, #tpu.memory_space<semaphore_mem>>
        %dma_start3A_125 = arith.constant 960 : i32
        %dma_start3A_126 = arith.constant 0 : i32
        %dma_start3A_127 = tpu.memref_slice %arg13[%dma_start3A_125, %dma_start3A_126] : memref<1000x64xf32, #tpu.memory_space<vmem_shared>> -> memref<40x64xf32, #tpu.memory_space<vmem_shared>>
        %dma_start3A_128 = arith.constant 960 : i32
        %dma_start3A_129 = arith.constant 0 : i32
        %dma_start3A_130 = tpu.memref_slice %arg5[%dma_start3A_128, %dma_start3A_129] : memref<1000x64xf32, #tpu.memory_space<hbm>> -> memref<40x64xf32, #tpu.memory_space<hbm>>
        tpu.enqueue_dma source(%dma_start3A_130 : memref<40x64xf32, #tpu.memory_space<hbm>>) target(%dma_start3A_127 : memref<40x64xf32, #tpu.memory_space<vmem_shared>>) target_semaphore(%run_scoped3A : memref<!tpu.dma_semaphore, #tpu.memory_space<semaphore_mem>>)
        %dma_wait3A_131 = arith.constant 960 : i32
        %dma_wait3A_132 = arith.constant 0 : i32
        %dma_wait3A_133 = tpu.memref_slice %arg13[%dma_wait3A_131, %dma_wait3A_132] : memref<1000x64xf32, #tpu.memory_space<vmem_shared>> -> memref<40x64xf32, #tpu.memory_space<vmem_shared>>
        %dma_wait3A_134 = arith.constant 960 : i32
        %dma_wait3A_135 = arith.constant 0 : i32
        %dma_wait3A_136 = tpu.memref_slice %arg5[%dma_wait3A_134, %dma_wait3A_135] : memref<1000x64xf32, #tpu.memory_space<hbm>> -> memref<40x64xf32, #tpu.memory_space<hbm>>
        tpu.wait_dma2 semaphore(%run_scoped3A : memref<!tpu.dma_semaphore, #tpu.memory_space<semaphore_mem>>) src(%dma_wait3A_136 : memref<40x64xf32, #tpu.memory_space<hbm>>) dst(%dma_wait3A_133 : memref<40x64xf32, #tpu.memory_space<vmem_shared>>)
        tpu.yield
      }) : () -> ()
    } else {
    }
    %barrier3A = arith.constant 0 : index
    tpu.barrier barrier_id(%barrier3A)
    %dma_wait3A = arith.constant 8 : i32
    %dma_wait3A_20 = tpu.memref_slice %arg2[%mul3A_2] : memref<16384xi32, #tpu.memory_space<hbm>> -> memref<512xi32, #tpu.memory_space<hbm>>
    %dma_wait3A_21 = tpu.memref_slice %arg14[%dma_wait3A] : memref<10x!tpu.dma_semaphore, #tpu.memory_space<semaphore_mem>> -> memref<1x!tpu.dma_semaphore, #tpu.memory_space<semaphore_mem>>
    %dma_wait3A_22 = tpu.memref_squeeze %dma_wait3A_21 : memref<1x!tpu.dma_semaphore, #tpu.memory_space<semaphore_mem>> -> memref<!tpu.dma_semaphore, #tpu.memory_space<semaphore_mem>>
    %dma_wait3A_23 = tpu.memref_slice %arg2[%mul3A_2] : memref<16384xi32, #tpu.memory_space<hbm>> -> memref<512xi32, #tpu.memory_space<hbm>>
    tpu.wait_dma2 semaphore(%dma_wait3A_22 : memref<!tpu.dma_semaphore, #tpu.memory_space<semaphore_mem>>) src(%dma_wait3A_23 : memref<512xi32, #tpu.memory_space<hbm>>) dst(%arg7 : memref<512xi32, #tpu.memory_space<vmem>>)
    %dma_wait3A_24 = arith.constant 9 : i32
    %dma_wait3A_25 = tpu.memref_slice %arg3[%mul3A_2] : memref<16384xi32, #tpu.memory_space<hbm>> -> memref<512xi32, #tpu.memory_space<hbm>>
    %dma_wait3A_26 = tpu.memref_slice %arg14[%dma_wait3A_24] : memref<10x!tpu.dma_semaphore, #tpu.memory_space<semaphore_mem>> -> memref<1x!tpu.dma_semaphore, #tpu.memory_space<semaphore_mem>>
    %dma_wait3A_27 = tpu.memref_squeeze %dma_wait3A_26 : memref<1x!tpu.dma_semaphore, #tpu.memory_space<semaphore_mem>> -> memref<!tpu.dma_semaphore, #tpu.memory_space<semaphore_mem>>
    %dma_wait3A_28 = tpu.memref_slice %arg3[%mul3A_2] : memref<16384xi32, #tpu.memory_space<hbm>> -> memref<512xi32, #tpu.memory_space<hbm>>
    tpu.wait_dma2 semaphore(%dma_wait3A_27 : memref<!tpu.dma_semaphore, #tpu.memory_space<semaphore_mem>>) src(%dma_wait3A_28 : memref<512xi32, #tpu.memory_space<hbm>>) dst(%arg8 : memref<512xi32, #tpu.memory_space<vmem>>)
    %dma_start3A_29 = arith.constant 0 : i32
    %dma_start3A_30 = arith.constant 0 : i32
    %dma_start3A_31 = arith.constant 0 : i32
    %dma_start3A_32 = tpu.memref_slice %arg9[%dma_start3A_30, %dma_start3A_31] : memref<512x64xf32, #tpu.memory_space<vmem>> -> memref<256x64xf32, #tpu.memory_space<vmem>>
    %dma_start3A_33 = arith.constant 0 : i32
    %dma_start3A_34 = tpu.memref_slice %arg7[%dma_start3A_33] : memref<512xi32, #tpu.memory_space<vmem>> -> memref<256xi32, #tpu.memory_space<vmem>>
    %dma_start3A_35 = arith.constant 0 : i32
    %dma_start3A_36 = arith.constant 0 : i32
    %dma_start3A_37 = tpu.memref_slice %arg12[%dma_start3A_35, %dma_start3A_36] : memref<1000x64xf32, #tpu.memory_space<vmem_shared>> -> memref<1000x64xf32, #tpu.memory_space<vmem_shared>>
    %dma_start3A_38 = tpu.memref_slice %arg14[%dma_start3A_29] : memref<10x!tpu.dma_semaphore, #tpu.memory_space<semaphore_mem>> -> memref<1x!tpu.dma_semaphore, #tpu.memory_space<semaphore_mem>>
    %dma_start3A_39 = tpu.memref_squeeze %dma_start3A_38 : memref<1x!tpu.dma_semaphore, #tpu.memory_space<semaphore_mem>> -> memref<!tpu.dma_semaphore, #tpu.memory_space<semaphore_mem>>
    tpu.enqueue_indirect_dma source(%dma_start3A_37 : memref<1000x64xf32, #tpu.memory_space<vmem_shared>>) target(%dma_start3A_32 : memref<256x64xf32, #tpu.memory_space<vmem>>) offsets(%dma_start3A_34 : memref<256xi32, #tpu.memory_space<vmem>>) semaphore(%dma_start3A_39 : memref<!tpu.dma_semaphore, #tpu.memory_space<semaphore_mem>>)
    %dma_start3A_40 = arith.constant 1 : i32
    %dma_start3A_41 = arith.constant 0 : i32
    %dma_start3A_42 = arith.constant 0 : i32
    %dma_start3A_43 = tpu.memref_slice %arg10[%dma_start3A_41, %dma_start3A_42] : memref<512x64xf32, #tpu.memory_space<vmem>> -> memref<256x64xf32, #tpu.memory_space<vmem>>
    %dma_start3A_44 = arith.constant 0 : i32
    %dma_start3A_45 = tpu.memref_slice %arg8[%dma_start3A_44] : memref<512xi32, #tpu.memory_space<vmem>> -> memref<256xi32, #tpu.memory_space<vmem>>
    %dma_start3A_46 = arith.constant 0 : i32
    %dma_start3A_47 = arith.constant 0 : i32
    %dma_start3A_48 = tpu.memref_slice %arg13[%dma_start3A_46, %dma_start3A_47] : memref<1000x64xf32, #tpu.memory_space<vmem_shared>> -> memref<1000x64xf32, #tpu.memory_space<vmem_shared>>
    %dma_start3A_49 = tpu.memref_slice %arg14[%dma_start3A_40] : memref<10x!tpu.dma_semaphore, #tpu.memory_space<semaphore_mem>> -> memref<1x!tpu.dma_semaphore, #tpu.memory_space<semaphore_mem>>
    %dma_start3A_50 = tpu.memref_squeeze %dma_start3A_49 : memref<1x!tpu.dma_semaphore, #tpu.memory_space<semaphore_mem>> -> memref<!tpu.dma_semaphore, #tpu.memory_space<semaphore_mem>>
    tpu.enqueue_indirect_dma source(%dma_start3A_48 : memref<1000x64xf32, #tpu.memory_space<vmem_shared>>) target(%dma_start3A_43 : memref<256x64xf32, #tpu.memory_space<vmem>>) offsets(%dma_start3A_45 : memref<256xi32, #tpu.memory_space<vmem>>) semaphore(%dma_start3A_50 : memref<!tpu.dma_semaphore, #tpu.memory_space<semaphore_mem>>)
    %dma_start3A_51 = arith.constant 2 : i32
    %dma_start3A_52 = arith.constant 256 : i32
    %dma_start3A_53 = arith.constant 0 : i32
    %dma_start3A_54 = tpu.memref_slice %arg9[%dma_start3A_52, %dma_start3A_53] : memref<512x64xf32, #tpu.memory_space<vmem>> -> memref<256x64xf32, #tpu.memory_space<vmem>>
    %dma_start3A_55 = arith.constant 256 : i32
    %dma_start3A_56 = tpu.memref_slice %arg7[%dma_start3A_55] : memref<512xi32, #tpu.memory_space<vmem>> -> memref<256xi32, #tpu.memory_space<vmem>>
    %dma_start3A_57 = arith.constant 0 : i32
    %dma_start3A_58 = arith.constant 0 : i32
    %dma_start3A_59 = tpu.memref_slice %arg12[%dma_start3A_57, %dma_start3A_58] : memref<1000x64xf32, #tpu.memory_space<vmem_shared>> -> memref<1000x64xf32, #tpu.memory_space<vmem_shared>>
    %dma_start3A_60 = tpu.memref_slice %arg14[%dma_start3A_51] : memref<10x!tpu.dma_semaphore, #tpu.memory_space<semaphore_mem>> -> memref<1x!tpu.dma_semaphore, #tpu.memory_space<semaphore_mem>>
    %dma_start3A_61 = tpu.memref_squeeze %dma_start3A_60 : memref<1x!tpu.dma_semaphore, #tpu.memory_space<semaphore_mem>> -> memref<!tpu.dma_semaphore, #tpu.memory_space<semaphore_mem>>
    tpu.enqueue_indirect_dma source(%dma_start3A_59 : memref<1000x64xf32, #tpu.memory_space<vmem_shared>>) target(%dma_start3A_54 : memref<256x64xf32, #tpu.memory_space<vmem>>) offsets(%dma_start3A_56 : memref<256xi32, #tpu.memory_space<vmem>>) semaphore(%dma_start3A_61 : memref<!tpu.dma_semaphore, #tpu.memory_space<semaphore_mem>>)
    %dma_start3A_62 = arith.constant 3 : i32
    %dma_start3A_63 = arith.constant 256 : i32
    %dma_start3A_64 = arith.constant 0 : i32
    %dma_start3A_65 = tpu.memref_slice %arg10[%dma_start3A_63, %dma_start3A_64] : memref<512x64xf32, #tpu.memory_space<vmem>> -> memref<256x64xf32, #tpu.memory_space<vmem>>
    %dma_start3A_66 = arith.constant 256 : i32
    %dma_start3A_67 = tpu.memref_slice %arg8[%dma_start3A_66] : memref<512xi32, #tpu.memory_space<vmem>> -> memref<256xi32, #tpu.memory_space<vmem>>
    %dma_start3A_68 = arith.constant 0 : i32
    %dma_start3A_69 = arith.constant 0 : i32
    %dma_start3A_70 = tpu.memref_slice %arg13[%dma_start3A_68, %dma_start3A_69] : memref<1000x64xf32, #tpu.memory_space<vmem_shared>> -> memref<1000x64xf32, #tpu.memory_space<vmem_shared>>
    %dma_start3A_71 = tpu.memref_slice %arg14[%dma_start3A_62] : memref<10x!tpu.dma_semaphore, #tpu.memory_space<semaphore_mem>> -> memref<1x!tpu.dma_semaphore, #tpu.memory_space<semaphore_mem>>
    %dma_start3A_72 = tpu.memref_squeeze %dma_start3A_71 : memref<1x!tpu.dma_semaphore, #tpu.memory_space<semaphore_mem>> -> memref<!tpu.dma_semaphore, #tpu.memory_space<semaphore_mem>>
    tpu.enqueue_indirect_dma source(%dma_start3A_70 : memref<1000x64xf32, #tpu.memory_space<vmem_shared>>) target(%dma_start3A_65 : memref<256x64xf32, #tpu.memory_space<vmem>>) offsets(%dma_start3A_67 : memref<256xi32, #tpu.memory_space<vmem>>) semaphore(%dma_start3A_72 : memref<!tpu.dma_semaphore, #tpu.memory_space<semaphore_mem>>)
    %iota3A = tpu.iota {dimensions = array<i32: 0>} : vector<16xi32>
    %eq3A_73 = arith.constant 15 : i32
    %eq3A_74 = vector.broadcast %eq3A_73 : i32 to vector<16xi32>
    %eq3A_75 = arith.cmpi eq, %iota3A, %eq3A_74 : vector<16xi32>
    %dma_wait3A_76 = arith.constant 0 : i32
    %dma_wait3A_77 = arith.constant 0 : i32
    %dma_wait3A_78 = arith.constant 0 : i32
    %dma_wait3A_79 = tpu.memref_slice %arg9[%dma_wait3A_77, %dma_wait3A_78] : memref<512x64xf32, #tpu.memory_space<vmem>> -> memref<256x64xf32, #tpu.memory_space<vmem>>
    %dma_wait3A_80 = arith.constant 0 : i32
    %dma_wait3A_81 = tpu.memref_slice %arg7[%dma_wait3A_80] : memref<512xi32, #tpu.memory_space<vmem>> -> memref<256xi32, #tpu.memory_space<vmem>>
    %dma_wait3A_82 = arith.constant 0 : i32
    %dma_wait3A_83 = arith.constant 0 : i32
    %dma_wait3A_84 = tpu.memref_slice %arg12[%dma_wait3A_82, %dma_wait3A_83] : memref<1000x64xf32, #tpu.memory_space<vmem_shared>> -> memref<1000x64xf32, #tpu.memory_space<vmem_shared>>
    %dma_wait3A_85 = tpu.memref_slice %arg14[%dma_wait3A_76] : memref<10x!tpu.dma_semaphore, #tpu.memory_space<semaphore_mem>> -> memref<1x!tpu.dma_semaphore, #tpu.memory_space<semaphore_mem>>
    %dma_wait3A_86 = tpu.memref_squeeze %dma_wait3A_85 : memref<1x!tpu.dma_semaphore, #tpu.memory_space<semaphore_mem>> -> memref<!tpu.dma_semaphore, #tpu.memory_space<semaphore_mem>>
    tpu.wait_indirect_dma semaphore(%dma_wait3A_86 : memref<!tpu.dma_semaphore, #tpu.memory_space<semaphore_mem>>) src(%dma_wait3A_84 : memref<1000x64xf32, #tpu.memory_space<vmem_shared>>) dst(%dma_wait3A_79 : memref<256x64xf32, #tpu.memory_space<vmem>>)
    %dma_wait3A_87 = arith.constant 1 : i32
    %dma_wait3A_88 = arith.constant 0 : i32
    %dma_wait3A_89 = arith.constant 0 : i32
    %dma_wait3A_90 = tpu.memref_slice %arg10[%dma_wait3A_88, %dma_wait3A_89] : memref<512x64xf32, #tpu.memory_space<vmem>> -> memref<256x64xf32, #tpu.memory_space<vmem>>
    %dma_wait3A_91 = arith.constant 0 : i32
    %dma_wait3A_92 = tpu.memref_slice %arg8[%dma_wait3A_91] : memref<512xi32, #tpu.memory_space<vmem>> -> memref<256xi32, #tpu.memory_space<vmem>>
    %dma_wait3A_93 = arith.constant 0 : i32
    %dma_wait3A_94 = arith.constant 0 : i32
    %dma_wait3A_95 = tpu.memref_slice %arg13[%dma_wait3A_93, %dma_wait3A_94] : memref<1000x64xf32, #tpu.memory_space<vmem_shared>> -> memref<1000x64xf32, #tpu.memory_space<vmem_shared>>
    %dma_wait3A_96 = tpu.memref_slice %arg14[%dma_wait3A_87] : memref<10x!tpu.dma_semaphore, #tpu.memory_space<semaphore_mem>> -> memref<1x!tpu.dma_semaphore, #tpu.memory_space<semaphore_mem>>
    %dma_wait3A_97 = tpu.memref_squeeze %dma_wait3A_96 : memref<1x!tpu.dma_semaphore, #tpu.memory_space<semaphore_mem>> -> memref<!tpu.dma_semaphore, #tpu.memory_space<semaphore_mem>>
    tpu.wait_indirect_dma semaphore(%dma_wait3A_97 : memref<!tpu.dma_semaphore, #tpu.memory_space<semaphore_mem>>) src(%dma_wait3A_95 : memref<1000x64xf32, #tpu.memory_space<vmem_shared>>) dst(%dma_wait3A_90 : memref<256x64xf32, #tpu.memory_space<vmem>>)
    %parallel_loop3A = arith.constant 0 : i32
    %parallel_loop3A_98 = arith.constant 256 : i32
    %parallel_loop3A_99 = arith.constant 4 : i32
    scf.for %parallel_loop3A_125 = %parallel_loop3A to %parallel_loop3A_98 step %parallel_loop3A_99  : i32 {
      %parallel_loop3A_126 = arith.constant 0 : i32
      %parallel_loop3A_127 = arith.addi %parallel_loop3A_125, %parallel_loop3A_126 : i32
      %parallel_loop3A_128 = arith.index_cast %parallel_loop3A_127 : i32 to index
      %parallel_loop3A_129 = arith.constant 0 : index
      %parallel_loop3A_130 = tpu.vector_load %arg9[%parallel_loop3A_128, %parallel_loop3A_129] {strides = array<i32>} : memref<512x64xf32, #tpu.memory_space<vmem>>, vector<16xf32>,
      %parallel_loop3A_131 = arith.index_cast %parallel_loop3A_127 : i32 to index
      %parallel_loop3A_132 = arith.constant 0 : index
      %parallel_loop3A_133 = tpu.vector_load %arg10[%parallel_loop3A_131, %parallel_loop3A_132] {strides = array<i32>} : memref<512x64xf32, #tpu.memory_space<vmem>>, vector<16xf32>,
      %parallel_loop3A_134 = arith.mulf %parallel_loop3A_130, %parallel_loop3A_133 : vector<16xf32>
      %parallel_loop3A_135 = arith.index_cast %parallel_loop3A_127 : i32 to index
      %parallel_loop3A_136 = arith.constant 16 : index
      %parallel_loop3A_137 = tpu.vector_load %arg9[%parallel_loop3A_135, %parallel_loop3A_136] {strides = array<i32>} : memref<512x64xf32, #tpu.memory_space<vmem>>, vector<16xf32>,
      %parallel_loop3A_138 = arith.index_cast %parallel_loop3A_127 : i32 to index
      %parallel_loop3A_139 = arith.constant 16 : index
      %parallel_loop3A_140 = tpu.vector_load %arg10[%parallel_loop3A_138, %parallel_loop3A_139] {strides = array<i32>} : memref<512x64xf32, #tpu.memory_space<vmem>>, vector<16xf32>,
      %parallel_loop3A_141 = arith.mulf %parallel_loop3A_137, %parallel_loop3A_140 : vector<16xf32>
      %parallel_loop3A_142 = arith.addf %parallel_loop3A_134, %parallel_loop3A_141 : vector<16xf32>
      %parallel_loop3A_143 = arith.index_cast %parallel_loop3A_127 : i32 to index
      %parallel_loop3A_144 = arith.constant 32 : index
      %parallel_loop3A_145 = tpu.vector_load %arg9[%parallel_loop3A_143, %parallel_loop3A_144] {strides = array<i32>} : memref<512x64xf32, #tpu.memory_space<vmem>>, vector<16xf32>,
      %parallel_loop3A_146 = arith.index_cast %parallel_loop3A_127 : i32 to index
      %parallel_loop3A_147 = arith.constant 32 : index
      %parallel_loop3A_148 = tpu.vector_load %arg10[%parallel_loop3A_146, %parallel_loop3A_147] {strides = array<i32>} : memref<512x64xf32, #tpu.memory_space<vmem>>, vector<16xf32>,
      %parallel_loop3A_149 = arith.mulf %parallel_loop3A_145, %parallel_loop3A_148 : vector<16xf32>
      %parallel_loop3A_150 = arith.index_cast %parallel_loop3A_127 : i32 to index
      %parallel_loop3A_151 = arith.constant 48 : index
      %parallel_loop3A_152 = tpu.vector_load %arg9[%parallel_loop3A_150, %parallel_loop3A_151] {strides = array<i32>} : memref<512x64xf32, #tpu.memory_space<vmem>>, vector<16xf32>,
      %parallel_loop3A_153 = arith.index_cast %parallel_loop3A_127 : i32 to index
      %parallel_loop3A_154 = arith.constant 48 : index
      %parallel_loop3A_155 = tpu.vector_load %arg10[%parallel_loop3A_153, %parallel_loop3A_154] {strides = array<i32>} : memref<512x64xf32, #tpu.memory_space<vmem>>, vector<16xf32>,
      %parallel_loop3A_156 = arith.mulf %parallel_loop3A_152, %parallel_loop3A_155 : vector<16xf32>
      %parallel_loop3A_157 = arith.addf %parallel_loop3A_149, %parallel_loop3A_156 : vector<16xf32>
      %parallel_loop3A_158 = arith.addf %parallel_loop3A_142, %parallel_loop3A_157 : vector<16xf32>
      %parallel_loop3A_159 = arith.constant true
      %parallel_loop3A_160 = vector.broadcast %parallel_loop3A_159 : i1 to vector<16xi1>
      %parallel_loop3A_161 = tpu.scan <sum>, %parallel_loop3A_158 masked %parallel_loop3A_160 : vector<16xf32>, vector<16xi1> -> vector<16xf32>
      %parallel_loop3A_162 = vector.broadcast %parallel_loop3A_127 : i32 to vector<16xi32>
      tpu.vector_store_idx %arg11[%parallel_loop3A_162], %parallel_loop3A_161 masked %eq3A_75 : memref<512xf32, #tpu.memory_space<vmem>>[vector<16xi32>], vector<16xf32>, vector<16xi1>
      %parallel_loop3A_163 = arith.constant 1 : i32
      %parallel_loop3A_164 = arith.addi %parallel_loop3A_125, %parallel_loop3A_163 : i32
      %parallel_loop3A_165 = arith.index_cast %parallel_loop3A_164 : i32 to index
      %parallel_loop3A_166 = arith.constant 0 : index
      %parallel_loop3A_167 = tpu.vector_load %arg9[%parallel_loop3A_165, %parallel_loop3A_166] {strides = array<i32>} : memref<512x64xf32, #tpu.memory_space<vmem>>, vector<16xf32>,
      %parallel_loop3A_168 = arith.index_cast %parallel_loop3A_164 : i32 to index
      %parallel_loop3A_169 = arith.constant 0 : index
      %parallel_loop3A_170 = tpu.vector_load %arg10[%parallel_loop3A_168, %parallel_loop3A_169] {strides = array<i32>} : memref<512x64xf32, #tpu.memory_space<vmem>>, vector<16xf32>,
      %parallel_loop3A_171 = arith.mulf %parallel_loop3A_167, %parallel_loop3A_170 : vector<16xf32>
      %parallel_loop3A_172 = arith.index_cast %parallel_loop3A_164 : i32 to index
      %parallel_loop3A_173 = arith.constant 16 : index
      %parallel_loop3A_174 = tpu.vector_load %arg9[%parallel_loop3A_172, %parallel_loop3A_173] {strides = array<i32>} : memref<512x64xf32, #tpu.memory_space<vmem>>, vector<16xf32>,
      %parallel_loop3A_175 = arith.index_cast %parallel_loop3A_164 : i32 to index
      %parallel_loop3A_176 = arith.constant 16 : index
      %parallel_loop3A_177 = tpu.vector_load %arg10[%parallel_loop3A_175, %parallel_loop3A_176] {strides = array<i32>} : memref<512x64xf32, #tpu.memory_space<vmem>>, vector<16xf32>,
      %parallel_loop3A_178 = arith.mulf %parallel_loop3A_174, %parallel_loop3A_177 : vector<16xf32>
      %parallel_loop3A_179 = arith.addf %parallel_loop3A_171, %parallel_loop3A_178 : vector<16xf32>
      %parallel_loop3A_180 = arith.index_cast %parallel_loop3A_164 : i32 to index
      %parallel_loop3A_181 = arith.constant 32 : index
      %parallel_loop3A_182 = tpu.vector_load %arg9[%parallel_loop3A_180, %parallel_loop3A_181] {strides = array<i32>} : memref<512x64xf32, #tpu.memory_space<vmem>>, vector<16xf32>,
      %parallel_loop3A_183 = arith.index_cast %parallel_loop3A_164 : i32 to index
      %parallel_loop3A_184 = arith.constant 32 : index
      %parallel_loop3A_185 = tpu.vector_load %arg10[%parallel_loop3A_183, %parallel_loop3A_184] {strides = array<i32>} : memref<512x64xf32, #tpu.memory_space<vmem>>, vector<16xf32>,
      %parallel_loop3A_186 = arith.mulf %parallel_loop3A_182, %parallel_loop3A_185 : vector<16xf32>
      %parallel_loop3A_187 = arith.index_cast %parallel_loop3A_164 : i32 to index
      %parallel_loop3A_188 = arith.constant 48 : index
      %parallel_loop3A_189 = tpu.vector_load %arg9[%parallel_loop3A_187, %parallel_loop3A_188] {strides = array<i32>} : memref<512x64xf32, #tpu.memory_space<vmem>>, vector<16xf32>,
      %parallel_loop3A_190 = arith.index_cast %parallel_loop3A_164 : i32 to index
      %parallel_loop3A_191 = arith.constant 48 : index
      %parallel_loop3A_192 = tpu.vector_load %arg10[%parallel_loop3A_190, %parallel_loop3A_191] {strides = array<i32>} : memref<512x64xf32, #tpu.memory_space<vmem>>, vector<16xf32>,
      %parallel_loop3A_193 = arith.mulf %parallel_loop3A_189, %parallel_loop3A_192 : vector<16xf32>
      %parallel_loop3A_194 = arith.addf %parallel_loop3A_186, %parallel_loop3A_193 : vector<16xf32>
      %parallel_loop3A_195 = arith.addf %parallel_loop3A_179, %parallel_loop3A_194 : vector<16xf32>
      %parallel_loop3A_196 = arith.constant true
      %parallel_loop3A_197 = vector.broadcast %parallel_loop3A_196 : i1 to vector<16xi1>
      %parallel_loop3A_198 = tpu.scan <sum>, %parallel_loop3A_195 masked %parallel_loop3A_197 : vector<16xf32>, vector<16xi1> -> vector<16xf32>
      %parallel_loop3A_199 = vector.broadcast %parallel_loop3A_164 : i32 to vector<16xi32>
      tpu.vector_store_idx %arg11[%parallel_loop3A_199], %parallel_loop3A_198 masked %eq3A_75 : memref<512xf32, #tpu.memory_space<vmem>>[vector<16xi32>], vector<16xf32>, vector<16xi1>
      %parallel_loop3A_200 = arith.constant 2 : i32
      %parallel_loop3A_201 = arith.addi %parallel_loop3A_125, %parallel_loop3A_200 : i32
      %parallel_loop3A_202 = arith.index_cast %parallel_loop3A_201 : i32 to index
      %parallel_loop3A_203 = arith.constant 0 : index
      %parallel_loop3A_204 = tpu.vector_load %arg9[%parallel_loop3A_202, %parallel_loop3A_203] {strides = array<i32>} : memref<512x64xf32, #tpu.memory_space<vmem>>, vector<16xf32>,
      %parallel_loop3A_205 = arith.index_cast %parallel_loop3A_201 : i32 to index
      %parallel_loop3A_206 = arith.constant 0 : index
      %parallel_loop3A_207 = tpu.vector_load %arg10[%parallel_loop3A_205, %parallel_loop3A_206] {strides = array<i32>} : memref<512x64xf32, #tpu.memory_space<vmem>>, vector<16xf32>,
      %parallel_loop3A_208 = arith.mulf %parallel_loop3A_204, %parallel_loop3A_207 : vector<16xf32>
      %parallel_loop3A_209 = arith.index_cast %parallel_loop3A_201 : i32 to index
      %parallel_loop3A_210 = arith.constant 16 : index
      %parallel_loop3A_211 = tpu.vector_load %arg9[%parallel_loop3A_209, %parallel_loop3A_210] {strides = array<i32>} : memref<512x64xf32, #tpu.memory_space<vmem>>, vector<16xf32>,
      %parallel_loop3A_212 = arith.index_cast %parallel_loop3A_201 : i32 to index
      %parallel_loop3A_213 = arith.constant 16 : index
      %parallel_loop3A_214 = tpu.vector_load %arg10[%parallel_loop3A_212, %parallel_loop3A_213] {strides = array<i32>} : memref<512x64xf32, #tpu.memory_space<vmem>>, vector<16xf32>,
      %parallel_loop3A_215 = arith.mulf %parallel_loop3A_211, %parallel_loop3A_214 : vector<16xf32>
      %parallel_loop3A_216 = arith.addf %parallel_loop3A_208, %parallel_loop3A_215 : vector<16xf32>
      %parallel_loop3A_217 = arith.index_cast %parallel_loop3A_201 : i32 to index
      %parallel_loop3A_218 = arith.constant 32 : index
      %parallel_loop3A_219 = tpu.vector_load %arg9[%parallel_loop3A_217, %parallel_loop3A_218] {strides = array<i32>} : memref<512x64xf32, #tpu.memory_space<vmem>>, vector<16xf32>,
      %parallel_loop3A_220 = arith.index_cast %parallel_loop3A_201 : i32 to index
      %parallel_loop3A_221 = arith.constant 32 : index
      %parallel_loop3A_222 = tpu.vector_load %arg10[%parallel_loop3A_220, %parallel_loop3A_221] {strides = array<i32>} : memref<512x64xf32, #tpu.memory_space<vmem>>, vector<16xf32>,
      %parallel_loop3A_223 = arith.mulf %parallel_loop3A_219, %parallel_loop3A_222 : vector<16xf32>
      %parallel_loop3A_224 = arith.index_cast %parallel_loop3A_201 : i32 to index
      %parallel_loop3A_225 = arith.constant 48 : index
      %parallel_loop3A_226 = tpu.vector_load %arg9[%parallel_loop3A_224, %parallel_loop3A_225] {strides = array<i32>} : memref<512x64xf32, #tpu.memory_space<vmem>>, vector<16xf32>,
      %parallel_loop3A_227 = arith.index_cast %parallel_loop3A_201 : i32 to index
      %parallel_loop3A_228 = arith.constant 48 : index
      %parallel_loop3A_229 = tpu.vector_load %arg10[%parallel_loop3A_227, %parallel_loop3A_228] {strides = array<i32>} : memref<512x64xf32, #tpu.memory_space<vmem>>, vector<16xf32>,
      %parallel_loop3A_230 = arith.mulf %parallel_loop3A_226, %parallel_loop3A_229 : vector<16xf32>
      %parallel_loop3A_231 = arith.addf %parallel_loop3A_223, %parallel_loop3A_230 : vector<16xf32>
      %parallel_loop3A_232 = arith.addf %parallel_loop3A_216, %parallel_loop3A_231 : vector<16xf32>
      %parallel_loop3A_233 = arith.constant true
      %parallel_loop3A_234 = vector.broadcast %parallel_loop3A_233 : i1 to vector<16xi1>
      %parallel_loop3A_235 = tpu.scan <sum>, %parallel_loop3A_232 masked %parallel_loop3A_234 : vector<16xf32>, vector<16xi1> -> vector<16xf32>
      %parallel_loop3A_236 = vector.broadcast %parallel_loop3A_201 : i32 to vector<16xi32>
      tpu.vector_store_idx %arg11[%parallel_loop3A_236], %parallel_loop3A_235 masked %eq3A_75 : memref<512xf32, #tpu.memory_space<vmem>>[vector<16xi32>], vector<16xf32>, vector<16xi1>
      %parallel_loop3A_237 = arith.constant 3 : i32
      %parallel_loop3A_238 = arith.addi %parallel_loop3A_125, %parallel_loop3A_237 : i32
      %parallel_loop3A_239 = arith.index_cast %parallel_loop3A_238 : i32 to index
      %parallel_loop3A_240 = arith.constant 0 : index
      %parallel_loop3A_241 = tpu.vector_load %arg9[%parallel_loop3A_239, %parallel_loop3A_240] {strides = array<i32>} : memref<512x64xf32, #tpu.memory_space<vmem>>, vector<16xf32>,
      %parallel_loop3A_242 = arith.index_cast %parallel_loop3A_238 : i32 to index
      %parallel_loop3A_243 = arith.constant 0 : index
      %parallel_loop3A_244 = tpu.vector_load %arg10[%parallel_loop3A_242, %parallel_loop3A_243] {strides = array<i32>} : memref<512x64xf32, #tpu.memory_space<vmem>>, vector<16xf32>,
      %parallel_loop3A_245 = arith.mulf %parallel_loop3A_241, %parallel_loop3A_244 : vector<16xf32>
      %parallel_loop3A_246 = arith.index_cast %parallel_loop3A_238 : i32 to index
      %parallel_loop3A_247 = arith.constant 16 : index
      %parallel_loop3A_248 = tpu.vector_load %arg9[%parallel_loop3A_246, %parallel_loop3A_247] {strides = array<i32>} : memref<512x64xf32, #tpu.memory_space<vmem>>, vector<16xf32>,
      %parallel_loop3A_249 = arith.index_cast %parallel_loop3A_238 : i32 to index
      %parallel_loop3A_250 = arith.constant 16 : index
      %parallel_loop3A_251 = tpu.vector_load %arg10[%parallel_loop3A_249, %parallel_loop3A_250] {strides = array<i32>} : memref<512x64xf32, #tpu.memory_space<vmem>>, vector<16xf32>,
      %parallel_loop3A_252 = arith.mulf %parallel_loop3A_248, %parallel_loop3A_251 : vector<16xf32>
      %parallel_loop3A_253 = arith.addf %parallel_loop3A_245, %parallel_loop3A_252 : vector<16xf32>
      %parallel_loop3A_254 = arith.index_cast %parallel_loop3A_238 : i32 to index
      %parallel_loop3A_255 = arith.constant 32 : index
      %parallel_loop3A_256 = tpu.vector_load %arg9[%parallel_loop3A_254, %parallel_loop3A_255] {strides = array<i32>} : memref<512x64xf32, #tpu.memory_space<vmem>>, vector<16xf32>,
      %parallel_loop3A_257 = arith.index_cast %parallel_loop3A_238 : i32 to index
      %parallel_loop3A_258 = arith.constant 32 : index
      %parallel_loop3A_259 = tpu.vector_load %arg10[%parallel_loop3A_257, %parallel_loop3A_258] {strides = array<i32>} : memref<512x64xf32, #tpu.memory_space<vmem>>, vector<16xf32>,
      %parallel_loop3A_260 = arith.mulf %parallel_loop3A_256, %parallel_loop3A_259 : vector<16xf32>
      %parallel_loop3A_261 = arith.index_cast %parallel_loop3A_238 : i32 to index
      %parallel_loop3A_262 = arith.constant 48 : index
      %parallel_loop3A_263 = tpu.vector_load %arg9[%parallel_loop3A_261, %parallel_loop3A_262] {strides = array<i32>} : memref<512x64xf32, #tpu.memory_space<vmem>>, vector<16xf32>,
      %parallel_loop3A_264 = arith.index_cast %parallel_loop3A_238 : i32 to index
      %parallel_loop3A_265 = arith.constant 48 : index
      %parallel_loop3A_266 = tpu.vector_load %arg10[%parallel_loop3A_264, %parallel_loop3A_265] {strides = array<i32>} : memref<512x64xf32, #tpu.memory_space<vmem>>, vector<16xf32>,
      %parallel_loop3A_267 = arith.mulf %parallel_loop3A_263, %parallel_loop3A_266 : vector<16xf32>
      %parallel_loop3A_268 = arith.addf %parallel_loop3A_260, %parallel_loop3A_267 : vector<16xf32>
      %parallel_loop3A_269 = arith.addf %parallel_loop3A_253, %parallel_loop3A_268 : vector<16xf32>
      %parallel_loop3A_270 = arith.constant true
      %parallel_loop3A_271 = vector.broadcast %parallel_loop3A_270 : i1 to vector<16xi1>
      %parallel_loop3A_272 = tpu.scan <sum>, %parallel_loop3A_269 masked %parallel_loop3A_271 : vector<16xf32>, vector<16xi1> -> vector<16xf32>
      %parallel_loop3A_273 = vector.broadcast %parallel_loop3A_238 : i32 to vector<16xi32>
      tpu.vector_store_idx %arg11[%parallel_loop3A_273], %parallel_loop3A_272 masked %eq3A_75 : memref<512xf32, #tpu.memory_space<vmem>>[vector<16xi32>], vector<16xf32>, vector<16xi1>
    } {sc.loop_unroll_factor = 2 : i64, sc.parallel_access}
    %dma_wait3A_100 = arith.constant 2 : i32
    %dma_wait3A_101 = arith.constant 256 : i32
    %dma_wait3A_102 = arith.constant 0 : i32
    %dma_wait3A_103 = tpu.memref_slice %arg9[%dma_wait3A_101, %dma_wait3A_102] : memref<512x64xf32, #tpu.memory_space<vmem>> -> memref<256x64xf32, #tpu.memory_space<vmem>>
    %dma_wait3A_104 = arith.constant 256 : i32
    %dma_wait3A_105 = tpu.memref_slice %arg7[%dma_wait3A_104] : memref<512xi32, #tpu.memory_space<vmem>> -> memref<256xi32, #tpu.memory_space<vmem>>
    %dma_wait3A_106 = arith.constant 0 : i32
    %dma_wait3A_107 = arith.constant 0 : i32
    %dma_wait3A_108 = tpu.memref_slice %arg12[%dma_wait3A_106, %dma_wait3A_107] : memref<1000x64xf32, #tpu.memory_space<vmem_shared>> -> memref<1000x64xf32, #tpu.memory_space<vmem_shared>>
    %dma_wait3A_109 = tpu.memref_slice %arg14[%dma_wait3A_100] : memref<10x!tpu.dma_semaphore, #tpu.memory_space<semaphore_mem>> -> memref<1x!tpu.dma_semaphore, #tpu.memory_space<semaphore_mem>>
    %dma_wait3A_110 = tpu.memref_squeeze %dma_wait3A_109 : memref<1x!tpu.dma_semaphore, #tpu.memory_space<semaphore_mem>> -> memref<!tpu.dma_semaphore, #tpu.memory_space<semaphore_mem>>
    tpu.wait_indirect_dma semaphore(%dma_wait3A_110 : memref<!tpu.dma_semaphore, #tpu.memory_space<semaphore_mem>>) src(%dma_wait3A_108 : memref<1000x64xf32, #tpu.memory_space<vmem_shared>>) dst(%dma_wait3A_103 : memref<256x64xf32, #tpu.memory_space<vmem>>)
    %dma_wait3A_111 = arith.constant 3 : i32
    %dma_wait3A_112 = arith.constant 256 : i32
    %dma_wait3A_113 = arith.constant 0 : i32
    %dma_wait3A_114 = tpu.memref_slice %arg10[%dma_wait3A_112, %dma_wait3A_113] : memref<512x64xf32, #tpu.memory_space<vmem>> -> memref<256x64xf32, #tpu.memory_space<vmem>>
    %dma_wait3A_115 = arith.constant 256 : i32
    %dma_wait3A_116 = tpu.memref_slice %arg8[%dma_wait3A_115] : memref<512xi32, #tpu.memory_space<vmem>> -> memref<256xi32, #tpu.memory_space<vmem>>
    %dma_wait3A_117 = arith.constant 0 : i32
    %dma_wait3A_118 = arith.constant 0 : i32
    %dma_wait3A_119 = tpu.memref_slice %arg13[%dma_wait3A_117, %dma_wait3A_118] : memref<1000x64xf32, #tpu.memory_space<vmem_shared>> -> memref<1000x64xf32, #tpu.memory_space<vmem_shared>>
    %dma_wait3A_120 = tpu.memref_slice %arg14[%dma_wait3A_111] : memref<10x!tpu.dma_semaphore, #tpu.memory_space<semaphore_mem>> -> memref<1x!tpu.dma_semaphore, #tpu.memory_space<semaphore_mem>>
    %dma_wait3A_121 = tpu.memref_squeeze %dma_wait3A_120 : memref<1x!tpu.dma_semaphore, #tpu.memory_space<semaphore_mem>> -> memref<!tpu.dma_semaphore, #tpu.memory_space<semaphore_mem>>
    tpu.wait_indirect_dma semaphore(%dma_wait3A_121 : memref<!tpu.dma_semaphore, #tpu.memory_space<semaphore_mem>>) src(%dma_wait3A_119 : memref<1000x64xf32, #tpu.memory_space<vmem_shared>>) dst(%dma_wait3A_114 : memref<256x64xf32, #tpu.memory_space<vmem>>)
    %parallel_loop3A_122 = arith.constant 256 : i32
    %parallel_loop3A_123 = arith.constant 512 : i32
    %parallel_loop3A_124 = arith.constant 4 : i32
    scf.for %parallel_loop3A_125 = %parallel_loop3A_122 to %parallel_loop3A_123 step %parallel_loop3A_124  : i32 {
      %parallel_loop3A_126 = arith.constant 0 : i32
      %parallel_loop3A_127 = arith.addi %parallel_loop3A_125, %parallel_loop3A_126 : i32
      %parallel_loop3A_128 = arith.index_cast %parallel_loop3A_127 : i32 to index
      %parallel_loop3A_129 = arith.constant 0 : index
      %parallel_loop3A_130 = tpu.vector_load %arg9[%parallel_loop3A_128, %parallel_loop3A_129] {strides = array<i32>} : memref<512x64xf32, #tpu.memory_space<vmem>>, vector<16xf32>,
      %parallel_loop3A_131 = arith.index_cast %parallel_loop3A_127 : i32 to index
      %parallel_loop3A_132 = arith.constant 0 : index
      %parallel_loop3A_133 = tpu.vector_load %arg10[%parallel_loop3A_131, %parallel_loop3A_132] {strides = array<i32>} : memref<512x64xf32, #tpu.memory_space<vmem>>, vector<16xf32>,
      %parallel_loop3A_134 = arith.mulf %parallel_loop3A_130, %parallel_loop3A_133 : vector<16xf32>
      %parallel_loop3A_135 = arith.index_cast %parallel_loop3A_127 : i32 to index
      %parallel_loop3A_136 = arith.constant 16 : index
      %parallel_loop3A_137 = tpu.vector_load %arg9[%parallel_loop3A_135, %parallel_loop3A_136] {strides = array<i32>} : memref<512x64xf32, #tpu.memory_space<vmem>>, vector<16xf32>,
      %parallel_loop3A_138 = arith.index_cast %parallel_loop3A_127 : i32 to index
      %parallel_loop3A_139 = arith.constant 16 : index
      %parallel_loop3A_140 = tpu.vector_load %arg10[%parallel_loop3A_138, %parallel_loop3A_139] {strides = array<i32>} : memref<512x64xf32, #tpu.memory_space<vmem>>, vector<16xf32>,
      %parallel_loop3A_141 = arith.mulf %parallel_loop3A_137, %parallel_loop3A_140 : vector<16xf32>
      %parallel_loop3A_142 = arith.addf %parallel_loop3A_134, %parallel_loop3A_141 : vector<16xf32>
      %parallel_loop3A_143 = arith.index_cast %parallel_loop3A_127 : i32 to index
      %parallel_loop3A_144 = arith.constant 32 : index
      %parallel_loop3A_145 = tpu.vector_load %arg9[%parallel_loop3A_143, %parallel_loop3A_144] {strides = array<i32>} : memref<512x64xf32, #tpu.memory_space<vmem>>, vector<16xf32>,
      %parallel_loop3A_146 = arith.index_cast %parallel_loop3A_127 : i32 to index
      %parallel_loop3A_147 = arith.constant 32 : index
      %parallel_loop3A_148 = tpu.vector_load %arg10[%parallel_loop3A_146, %parallel_loop3A_147] {strides = array<i32>} : memref<512x64xf32, #tpu.memory_space<vmem>>, vector<16xf32>,
      %parallel_loop3A_149 = arith.mulf %parallel_loop3A_145, %parallel_loop3A_148 : vector<16xf32>
      %parallel_loop3A_150 = arith.index_cast %parallel_loop3A_127 : i32 to index
      %parallel_loop3A_151 = arith.constant 48 : index
      %parallel_loop3A_152 = tpu.vector_load %arg9[%parallel_loop3A_150, %parallel_loop3A_151] {strides = array<i32>} : memref<512x64xf32, #tpu.memory_space<vmem>>, vector<16xf32>,
      %parallel_loop3A_153 = arith.index_cast %parallel_loop3A_127 : i32 to index
      %parallel_loop3A_154 = arith.constant 48 : index
      %parallel_loop3A_155 = tpu.vector_load %arg10[%parallel_loop3A_153, %parallel_loop3A_154] {strides = array<i32>} : memref<512x64xf32, #tpu.memory_space<vmem>>, vector<16xf32>,
      %parallel_loop3A_156 = arith.mulf %parallel_loop3A_152, %parallel_loop3A_155 : vector<16xf32>
      %parallel_loop3A_157 = arith.addf %parallel_loop3A_149, %parallel_loop3A_156 : vector<16xf32>
      %parallel_loop3A_158 = arith.addf %parallel_loop3A_142, %parallel_loop3A_157 : vector<16xf32>
      %parallel_loop3A_159 = arith.constant true
      %parallel_loop3A_160 = vector.broadcast %parallel_loop3A_159 : i1 to vector<16xi1>
      %parallel_loop3A_161 = tpu.scan <sum>, %parallel_loop3A_158 masked %parallel_loop3A_160 : vector<16xf32>, vector<16xi1> -> vector<16xf32>
      %parallel_loop3A_162 = vector.broadcast %parallel_loop3A_127 : i32 to vector<16xi32>
      tpu.vector_store_idx %arg11[%parallel_loop3A_162], %parallel_loop3A_161 masked %eq3A_75 : memref<512xf32, #tpu.memory_space<vmem>>[vector<16xi32>], vector<16xf32>, vector<16xi1>
      %parallel_loop3A_163 = arith.constant 1 : i32
      %parallel_loop3A_164 = arith.addi %parallel_loop3A_125, %parallel_loop3A_163 : i32
      %parallel_loop3A_165 = arith.index_cast %parallel_loop3A_164 : i32 to index
      %parallel_loop3A_166 = arith.constant 0 : index
      %parallel_loop3A_167 = tpu.vector_load %arg9[%parallel_loop3A_165, %parallel_loop3A_166] {strides = array<i32>} : memref<512x64xf32, #tpu.memory_space<vmem>>, vector<16xf32>,
      %parallel_loop3A_168 = arith.index_cast %parallel_loop3A_164 : i32 to index
      %parallel_loop3A_169 = arith.constant 0 : index
      %parallel_loop3A_170 = tpu.vector_load %arg10[%parallel_loop3A_168, %parallel_loop3A_169] {strides = array<i32>} : memref<512x64xf32, #tpu.memory_space<vmem>>, vector<16xf32>,
      %parallel_loop3A_171 = arith.mulf %parallel_loop3A_167, %parallel_loop3A_170 : vector<16xf32>
      %parallel_loop3A_172 = arith.index_cast %parallel_loop3A_164 : i32 to index
      %parallel_loop3A_173 = arith.constant 16 : index
      %parallel_loop3A_174 = tpu.vector_load %arg9[%parallel_loop3A_172, %parallel_loop3A_173] {strides = array<i32>} : memref<512x64xf32, #tpu.memory_space<vmem>>, vector<16xf32>,
      %parallel_loop3A_175 = arith.index_cast %parallel_loop3A_164 : i32 to index
      %parallel_loop3A_176 = arith.constant 16 : index
      %parallel_loop3A_177 = tpu.vector_load %arg10[%parallel_loop3A_175, %parallel_loop3A_176] {strides = array<i32>} : memref<512x64xf32, #tpu.memory_space<vmem>>, vector<16xf32>,
      %parallel_loop3A_178 = arith.mulf %parallel_loop3A_174, %parallel_loop3A_177 : vector<16xf32>
      %parallel_loop3A_179 = arith.addf %parallel_loop3A_171, %parallel_loop3A_178 : vector<16xf32>
      %parallel_loop3A_180 = arith.index_cast %parallel_loop3A_164 : i32 to index
      %parallel_loop3A_181 = arith.constant 32 : index
      %parallel_loop3A_182 = tpu.vector_load %arg9[%parallel_loop3A_180, %parallel_loop3A_181] {strides = array<i32>} : memref<512x64xf32, #tpu.memory_space<vmem>>, vector<16xf32>,
      %parallel_loop3A_183 = arith.index_cast %parallel_loop3A_164 : i32 to index
      %parallel_loop3A_184 = arith.constant 32 : index
      %parallel_loop3A_185 = tpu.vector_load %arg10[%parallel_loop3A_183, %parallel_loop3A_184] {strides = array<i32>} : memref<512x64xf32, #tpu.memory_space<vmem>>, vector<16xf32>,
      %parallel_loop3A_186 = arith.mulf %parallel_loop3A_182, %parallel_loop3A_185 : vector<16xf32>
      %parallel_loop3A_187 = arith.index_cast %parallel_loop3A_164 : i32 to index
      %parallel_loop3A_188 = arith.constant 48 : index
      %parallel_loop3A_189 = tpu.vector_load %arg9[%parallel_loop3A_187, %parallel_loop3A_188] {strides = array<i32>} : memref<512x64xf32, #tpu.memory_space<vmem>>, vector<16xf32>,
      %parallel_loop3A_190 = arith.index_cast %parallel_loop3A_164 : i32 to index
      %parallel_loop3A_191 = arith.constant 48 : index
      %parallel_loop3A_192 = tpu.vector_load %arg10[%parallel_loop3A_190, %parallel_loop3A_191] {strides = array<i32>} : memref<512x64xf32, #tpu.memory_space<vmem>>, vector<16xf32>,
      %parallel_loop3A_193 = arith.mulf %parallel_loop3A_189, %parallel_loop3A_192 : vector<16xf32>
      %parallel_loop3A_194 = arith.addf %parallel_loop3A_186, %parallel_loop3A_193 : vector<16xf32>
      %parallel_loop3A_195 = arith.addf %parallel_loop3A_179, %parallel_loop3A_194 : vector<16xf32>
      %parallel_loop3A_196 = arith.constant true
      %parallel_loop3A_197 = vector.broadcast %parallel_loop3A_196 : i1 to vector<16xi1>
      %parallel_loop3A_198 = tpu.scan <sum>, %parallel_loop3A_195 masked %parallel_loop3A_197 : vector<16xf32>, vector<16xi1> -> vector<16xf32>
      %parallel_loop3A_199 = vector.broadcast %parallel_loop3A_164 : i32 to vector<16xi32>
      tpu.vector_store_idx %arg11[%parallel_loop3A_199], %parallel_loop3A_198 masked %eq3A_75 : memref<512xf32, #tpu.memory_space<vmem>>[vector<16xi32>], vector<16xf32>, vector<16xi1>
      %parallel_loop3A_200 = arith.constant 2 : i32
      %parallel_loop3A_201 = arith.addi %parallel_loop3A_125, %parallel_loop3A_200 : i32
      %parallel_loop3A_202 = arith.index_cast %parallel_loop3A_201 : i32 to index
      %parallel_loop3A_203 = arith.constant 0 : index
      %parallel_loop3A_204 = tpu.vector_load %arg9[%parallel_loop3A_202, %parallel_loop3A_203] {strides = array<i32>} : memref<512x64xf32, #tpu.memory_space<vmem>>, vector<16xf32>,
      %parallel_loop3A_205 = arith.index_cast %parallel_loop3A_201 : i32 to index
      %parallel_loop3A_206 = arith.constant 0 : index
      %parallel_loop3A_207 = tpu.vector_load %arg10[%parallel_loop3A_205, %parallel_loop3A_206] {strides = array<i32>} : memref<512x64xf32, #tpu.memory_space<vmem>>, vector<16xf32>,
      %parallel_loop3A_208 = arith.mulf %parallel_loop3A_204, %parallel_loop3A_207 : vector<16xf32>
      %parallel_loop3A_209 = arith.index_cast %parallel_loop3A_201 : i32 to index
      %parallel_loop3A_210 = arith.constant 16 : index
      %parallel_loop3A_211 = tpu.vector_load %arg9[%parallel_loop3A_209, %parallel_loop3A_210] {strides = array<i32>} : memref<512x64xf32, #tpu.memory_space<vmem>>, vector<16xf32>,
      %parallel_loop3A_212 = arith.index_cast %parallel_loop3A_201 : i32 to index
      %parallel_loop3A_213 = arith.constant 16 : index
      %parallel_loop3A_214 = tpu.vector_load %arg10[%parallel_loop3A_212, %parallel_loop3A_213] {strides = array<i32>} : memref<512x64xf32, #tpu.memory_space<vmem>>, vector<16xf32>,
      %parallel_loop3A_215 = arith.mulf %parallel_loop3A_211, %parallel_loop3A_214 : vector<16xf32>
      %parallel_loop3A_216 = arith.addf %parallel_loop3A_208, %parallel_loop3A_215 : vector<16xf32>
      %parallel_loop3A_217 = arith.index_cast %parallel_loop3A_201 : i32 to index
      %parallel_loop3A_218 = arith.constant 32 : index
      %parallel_loop3A_219 = tpu.vector_load %arg9[%parallel_loop3A_217, %parallel_loop3A_218] {strides = array<i32>} : memref<512x64xf32, #tpu.memory_space<vmem>>, vector<16xf32>,
      %parallel_loop3A_220 = arith.index_cast %parallel_loop3A_201 : i32 to index
      %parallel_loop3A_221 = arith.constant 32 : index
      %parallel_loop3A_222 = tpu.vector_load %arg10[%parallel_loop3A_220, %parallel_loop3A_221] {strides = array<i32>} : memref<512x64xf32, #tpu.memory_space<vmem>>, vector<16xf32>,
      %parallel_loop3A_223 = arith.mulf %parallel_loop3A_219, %parallel_loop3A_222 : vector<16xf32>
      %parallel_loop3A_224 = arith.index_cast %parallel_loop3A_201 : i32 to index
      %parallel_loop3A_225 = arith.constant 48 : index
      %parallel_loop3A_226 = tpu.vector_load %arg9[%parallel_loop3A_224, %parallel_loop3A_225] {strides = array<i32>} : memref<512x64xf32, #tpu.memory_space<vmem>>, vector<16xf32>,
      %parallel_loop3A_227 = arith.index_cast %parallel_loop3A_201 : i32 to index
      %parallel_loop3A_228 = arith.constant 48 : index
      %parallel_loop3A_229 = tpu.vector_load %arg10[%parallel_loop3A_227, %parallel_loop3A_228] {strides = array<i32>} : memref<512x64xf32, #tpu.memory_space<vmem>>, vector<16xf32>,
      %parallel_loop3A_230 = arith.mulf %parallel_loop3A_226, %parallel_loop3A_229 : vector<16xf32>
      %parallel_loop3A_231 = arith.addf %parallel_loop3A_223, %parallel_loop3A_230 : vector<16xf32>
      %parallel_loop3A_232 = arith.addf %parallel_loop3A_216, %parallel_loop3A_231 : vector<16xf32>
      %parallel_loop3A_233 = arith.constant true
      %parallel_loop3A_234 = vector.broadcast %parallel_loop3A_233 : i1 to vector<16xi1>
      %parallel_loop3A_235 = tpu.scan <sum>, %parallel_loop3A_232 masked %parallel_loop3A_234 : vector<16xf32>, vector<16xi1> -> vector<16xf32>
      %parallel_loop3A_236 = vector.broadcast %parallel_loop3A_201 : i32 to vector<16xi32>
      tpu.vector_store_idx %arg11[%parallel_loop3A_236], %parallel_loop3A_235 masked %eq3A_75 : memref<512xf32, #tpu.memory_space<vmem>>[vector<16xi32>], vector<16xf32>, vector<16xi1>
      %parallel_loop3A_237 = arith.constant 3 : i32
      %parallel_loop3A_238 = arith.addi %parallel_loop3A_125, %parallel_loop3A_237 : i32
      %parallel_loop3A_239 = arith.index_cast %parallel_loop3A_238 : i32 to index
      %parallel_loop3A_240 = arith.constant 0 : index
      %parallel_loop3A_241 = tpu.vector_load %arg9[%parallel_loop3A_239, %parallel_loop3A_240] {strides = array<i32>} : memref<512x64xf32, #tpu.memory_space<vmem>>, vector<16xf32>,
      %parallel_loop3A_242 = arith.index_cast %parallel_loop3A_238 : i32 to index
      %parallel_loop3A_243 = arith.constant 0 : index
      %parallel_loop3A_244 = tpu.vector_load %arg10[%parallel_loop3A_242, %parallel_loop3A_243] {strides = array<i32>} : memref<512x64xf32, #tpu.memory_space<vmem>>, vector<16xf32>,
      %parallel_loop3A_245 = arith.mulf %parallel_loop3A_241, %parallel_loop3A_244 : vector<16xf32>
      %parallel_loop3A_246 = arith.index_cast %parallel_loop3A_238 : i32 to index
      %parallel_loop3A_247 = arith.constant 16 : index
      %parallel_loop3A_248 = tpu.vector_load %arg9[%parallel_loop3A_246, %parallel_loop3A_247] {strides = array<i32>} : memref<512x64xf32, #tpu.memory_space<vmem>>, vector<16xf32>,
      %parallel_loop3A_249 = arith.index_cast %parallel_loop3A_238 : i32 to index
      %parallel_loop3A_250 = arith.constant 16 : index
      %parallel_loop3A_251 = tpu.vector_load %arg10[%parallel_loop3A_249, %parallel_loop3A_250] {strides = array<i32>} : memref<512x64xf32, #tpu.memory_space<vmem>>, vector<16xf32>,
      %parallel_loop3A_252 = arith.mulf %parallel_loop3A_248, %parallel_loop3A_251 : vector<16xf32>
      %parallel_loop3A_253 = arith.addf %parallel_loop3A_245, %parallel_loop3A_252 : vector<16xf32>
      %parallel_loop3A_254 = arith.index_cast %parallel_loop3A_238 : i32 to index
      %parallel_loop3A_255 = arith.constant 32 : index
      %parallel_loop3A_256 = tpu.vector_load %arg9[%parallel_loop3A_254, %parallel_loop3A_255] {strides = array<i32>} : memref<512x64xf32, #tpu.memory_space<vmem>>, vector<16xf32>,
      %parallel_loop3A_257 = arith.index_cast %parallel_loop3A_238 : i32 to index
      %parallel_loop3A_258 = arith.constant 32 : index
      %parallel_loop3A_259 = tpu.vector_load %arg10[%parallel_loop3A_257, %parallel_loop3A_258] {strides = array<i32>} : memref<512x64xf32, #tpu.memory_space<vmem>>, vector<16xf32>,
      %parallel_loop3A_260 = arith.mulf %parallel_loop3A_256, %parallel_loop3A_259 : vector<16xf32>
      %parallel_loop3A_261 = arith.index_cast %parallel_loop3A_238 : i32 to index
      %parallel_loop3A_262 = arith.constant 48 : index
      %parallel_loop3A_263 = tpu.vector_load %arg9[%parallel_loop3A_261, %parallel_loop3A_262] {strides = array<i32>} : memref<512x64xf32, #tpu.memory_space<vmem>>, vector<16xf32>,
      %parallel_loop3A_264 = arith.index_cast %parallel_loop3A_238 : i32 to index
      %parallel_loop3A_265 = arith.constant 48 : index
      %parallel_loop3A_266 = tpu.vector_load %arg10[%parallel_loop3A_264, %parallel_loop3A_265] {strides = array<i32>} : memref<512x64xf32, #tpu.memory_space<vmem>>, vector<16xf32>,
      %parallel_loop3A_267 = arith.mulf %parallel_loop3A_263, %parallel_loop3A_266 : vector<16xf32>
      %parallel_loop3A_268 = arith.addf %parallel_loop3A_260, %parallel_loop3A_267 : vector<16xf32>
      %parallel_loop3A_269 = arith.addf %parallel_loop3A_253, %parallel_loop3A_268 : vector<16xf32>
      %parallel_loop3A_270 = arith.constant true
      %parallel_loop3A_271 = vector.broadcast %parallel_loop3A_270 : i1 to vector<16xi1>
      %parallel_loop3A_272 = tpu.scan <sum>, %parallel_loop3A_269 masked %parallel_loop3A_271 : vector<16xf32>, vector<16xi1> -> vector<16xf32>
      %parallel_loop3A_273 = vector.broadcast %parallel_loop3A_238 : i32 to vector<16xi32>
      tpu.vector_store_idx %arg11[%parallel_loop3A_273], %parallel_loop3A_272 masked %eq3A_75 : memref<512xf32, #tpu.memory_space<vmem>>[vector<16xi32>], vector<16xf32>, vector<16xi1>
    } {sc.loop_unroll_factor = 2 : i64, sc.parallel_access}
    "tpu.region"() ({
      %run_scoped3A = tpu.sem_alloc : memref<!tpu.dma_semaphore, #tpu.memory_space<semaphore_mem>>
      %dma_start3A_125 = tpu.memref_slice %arg6[%mul3A_2] : memref<16384xf32, #tpu.memory_space<hbm>> -> memref<512xf32, #tpu.memory_space<hbm>>
      %dma_start3A_126 = tpu.memref_slice %arg6[%mul3A_2] : memref<16384xf32, #tpu.memory_space<hbm>> -> memref<512xf32, #tpu.memory_space<hbm>>
      tpu.enqueue_dma source(%arg11 : memref<512xf32, #tpu.memory_space<vmem>>) target(%dma_start3A_126 : memref<512xf32, #tpu.memory_space<hbm>>) target_semaphore(%run_scoped3A : memref<!tpu.dma_semaphore, #tpu.memory_space<semaphore_mem>>)
      %dma_wait3A_127 = tpu.memref_slice %arg6[%mul3A_2] : memref<16384xf32, #tpu.memory_space<hbm>> -> memref<512xf32, #tpu.memory_space<hbm>>
      %dma_wait3A_128 = tpu.memref_slice %arg6[%mul3A_2] : memref<16384xf32, #tpu.memory_space<hbm>> -> memref<512xf32, #tpu.memory_space<hbm>>
      tpu.wait_dma2 semaphore(%run_scoped3A : memref<!tpu.dma_semaphore, #tpu.memory_space<semaphore_mem>>) src(%arg11 : memref<512xf32, #tpu.memory_space<vmem>>) dst(%dma_wait3A_128 : memref<512xf32, #tpu.memory_space<hbm>>)
      tpu.yield
    }) : () -> ()
    return
  }
}

</mosaic_0001>

<sc_bundles>
// kernel: _run.3.cloned.1.call-start
scs
__scs_entry_jumppad:
0x0: {  	(pc) =	sbr.rel $0x88, $3  }
0x1: {  	(tag) =	ssettag $0x0;
	lr =	simm.s32 $0x1  }
0x2: {  	[smem:$0x3F9D] =	sst lr;
	_ =	strace $0xD0000000  }
0x3: {  	_ = 	snop  }
0x4: {  	_ = 	snop  }
0x5: {  	_ = 	snop  }
0x6: {  	_ = 	snop  }
0x7: {  	_ = 	snop  }
__scs_overlays_trampoline_lowered:
0x8: {  	[smem:$0x3FAC] =	sst s0  }
0x9: {  	[smem:$0x3FAD] =	sst s1  }
0xa: {  	[smem:$0x3FAE] =	sst s2  }
0xb: {  	[smem:$0x3FAF] =	sst s3  }
0xc: {  	[smem:$0x3FB0] =	sst s4  }
0xd: {  	[smem:$0x3FB1] =	sst s5  }
0xe: {  	[smem:$0x3FB2] =	sst s6  }
0xf: {  	[smem:$0x3FB3] =	sst s7  }
0x10: {  	[smem:$0x3FB4] =	sst s8  }
0x11: {  	[smem:$0x3FB5] =	sst s9;
	s0 =	simm.s32 @!p0 $0x0  }
0x12: {  	s1 =	sld [smem:$0x3F9B];
	s0 =	simm.s32 @p0 $0x1  }
0x13: {  	[smem:$0x3FB6] =	sst s0;
	s0 =	simm.s32 @!p1 $0x0  }
0x14: {  	s2 =	sld [smem:$0x3F9A];
	s0 =	simm.s32 @p1 $0x1  }
0x15: {  	[smem:$0x3FB7] =	sst s0;
	s0 =	simm.s32 @!p2 $0x0  }
0x16: {  	s3 =	sld [smem:$0x3FDB];
	s0 =	simm.s32 @p2 $0x1  }
0x17: {  	s4 =	simm.s32 $0x1BF5;
	[smem:$0x3FB9] =	sst s0  }
0x18: {  	s0 =	sld [smem:$0x3F9C];
	_ =	swait.ge [sflag:s4], $0x0  }
0x19: {  	s7 =	sld [smem:$0x3F9D]  }
0x1a: {  	s8 =	sadd.s32 $0xFFFFE003, lr  }
0x1b: {  	s9 =	sadd.s32 $0xFFFFFEF7, lr;
	s5 =	simm.s32 $0xFFFFFFFF;
	p2 =	slt.u32 s8, $0xFFFFF086  }
0x1c: {  	p1 =	slt.u32 s9, $0xF7A;
	s5 =	simm.s32 @!p2 $0x0  }
0x1d: {  	s5 =	simm.s32 @p1 $0x1;
	p0 =	seq.s32 s7, s2  }
0x1e: {  	s7 =	smul.u32 @!p0 $0xF7A, s2;
	p2 =	seq.s32 @!p0 s5, $0x0  }
0x1f: {  	s9 =	smul.u32 $0xF7A, s1;
	s8 =	simm.s32 @!p0 $0x1BF5;
	p2 =	por !p2, p0  }
0x20: {  	[sflag:s8] =	ssyncset.s32 @!p0 $0xFFFFF086;
	s6 =	sadd.s32 @!p0 s3, s7;
	s7 =	simm.s32 @!p0 $0x108  }
0x21: {  	s3 =	sadd.s32 s3, s9;
	s6 =	sadd.s32 @!p0 $0x88, s6;
	s7 =	simm.s32 @p2 $0x1082  }
0x22: {  	[simem:s7], [sflag:s8] =	dma.local @!p0 [hbm:s6], $0xF7A  }
0x23: {  	s9 =	sor.u32 $0xD0000000, s2;
	s6 =	simm.s32 $0x108;
	_ =	swait.ge @!p0 [sflag:s8], $0x0  }
0x24: {  	s3 =	sadd.s32 $0x88, s3;
	s6 =	simm.s32 @!p1 $0x1082;
	[sflag:s4] =	ssyncset.s32 $0xFFFFF086  }
0x25: {  	[simem:s6], [sflag:s4] =	dma.local [hbm:s3], $0xF7A  }
0x26: {  	[smem:$0x3F9D] =	sst s1;
	(tag) =	ssettag s2;
	_ =	strace s9  }
0x27: {  	s1 =	sld [smem:$0x3FAD]  }
0x28: {  	s2 =	sld [smem:$0x3FAE]  }
0x29: {  	s4 =	sld [smem:$0x3FB0]  }
0x2a: {  	p0 =	seq.s32 s5, $0x0;
	s5 =	sld [smem:$0x3FB1]  }
0x2b: {  	s6 =	sld [smem:$0x3FB2]  }
0x2c: {  	s7 =	sld [smem:$0x3FB3]  }
0x2d: {  	s3 =	simm.s32 $0x108;
	s8 =	sld [smem:$0x3FB4]  }
0x2e: {  	s3 =	simm.s32 @!p0 $0x1082;
	s9 =	sld [smem:$0x3FB5]  }
0x2f: {  	lr =	sadd.s32 s0, s3;
	s0 =	sld [smem:$0x3FAC]  }
0x30: {  	s3 =	sld [smem:$0x3FAF]  }
0x31: {  	[smem:$0x3FB8] =	sst s10  }
0x32: {  	s10 =	sld [smem:$0x3FB6];
	_ =	sdelay $0x3  }
0x33: {  	p0 =	seq.s32 s10, $0x1;
	s10 =	sld [smem:$0x3FB8];
	_ =	sdelay $0x3  }
0x34: {  	[smem:$0x3FB8] =	sst s10  }
0x35: {  	s10 =	sld [smem:$0x3FB7];
	_ =	sdelay $0x3  }
0x36: {  	p1 =	seq.s32 s10, $0x1;
	s10 =	sld [smem:$0x3FB8];
	_ =	sdelay $0x3  }
0x37: {  	[smem:$0x3FB8] =	sst s10  }
0x38: {  	s10 =	sld [smem:$0x3FB9]  }
0x39: {  	_ = 	snop;
	(pc) =	sbr.ind lr, $3  }
0x3a: {  	_ = 	snop  }
0x3b: {  	_ = 	snop  }
0x3c: {  	p2 =	seq.s32 s10, $0x1;
	s10 =	sld [smem:$0x3FB8]  }
0x3d: {  	_ =	shalt  }
0x3e: {  	_ =	shalt  }
0x3f: {  	_ =	shalt  }
0x40: {  	_ =	shalt  }
0x41: {  	_ =	shalt  }
0x42: {  	_ =	shalt  }
0x43: {  	_ =	shalt  }
0x44: {  	_ =	shalt  }
0x45: {  	_ =	shalt  }
0x46: {  	_ =	shalt  }
0x47: {  	_ =	shalt  }
0x48: {  	_ =	shalt  }
0x49: {  	_ =	shalt  }
0x4a: {  	_ =	shalt  }
0x4b: {  	_ =	shalt  }
0x4c: {  	_ =	shalt  }
0x4d: {  	_ =	shalt  }
0x4e: {  	_ =	shalt  }
0x4f: {  	_ =	shalt  }
0x50: {  	_ =	shalt  }
0x51: {  	_ =	shalt  }
0x52: {  	_ =	shalt  }
0x53: {  	_ =	shalt  }
0x54: {  	_ =	shalt  }
0x55: {  	_ =	shalt  }
0x56: {  	_ =	shalt  }
0x57: {  	_ =	shalt  }
0x58: {  	_ =	shalt  }
0x59: {  	_ =	shalt  }
0x5a: {  	_ =	shalt  }
0x5b: {  	_ =	shalt  }
0x5c: {  	_ =	shalt  }
0x5d: {  	_ =	shalt  }
0x5e: {  	_ =	shalt  }
0x5f: {  	_ =	shalt  }
0x60: {  	_ =	shalt  }
0x61: {  	_ =	shalt  }
0x62: {  	_ =	shalt  }
0x63: {  	_ =	shalt  }
0x64: {  	_ =	shalt  }
0x65: {  	_ =	shalt  }
0x66: {  	_ =	shalt  }
0x67: {  	_ =	shalt  }
0x68: {  	_ =	shalt  }
0x69: {  	_ =	shalt  }
0x6a: {  	_ =	shalt  }
0x6b: {  	_ =	shalt  }
0x6c: {  	_ =	shalt  }
0x6d: {  	_ =	shalt  }
0x6e: {  	_ =	shalt  }
0x6f: {  	_ =	shalt  }
0x70: {  	_ =	shalt  }
0x71: {  	_ =	shalt  }
0x72: {  	_ =	shalt  }
0x73: {  	_ =	shalt  }
0x74: {  	_ =	shalt  }
0x75: {  	_ =	shalt  }
0x76: {  	_ =	shalt  }
0x77: {  	_ =	shalt  }
0x78: {  	_ =	shalt  }
0x79: {  	_ =	shalt  }
0x7a: {  	_ =	shalt  }
0x7b: {  	_ =	shalt  }
0x7c: {  	_ =	shalt  }
0x7d: {  	_ =	shalt  }
0x7e: {  	_ =	shalt  }
0x7f: {  	_ =	shalt  }
0x80: {  	_ =	shalt  }
0x81: {  	_ =	shalt  }
0x82: {  	_ =	shalt  }
0x83: {  	_ =	shalt  }
0x84: {  	_ =	shalt  }
0x85: {  	_ =	shalt  }
0x86: {  	_ =	shalt  }
0x87: {  	_ =	shalt  }
.Lfunc_end0:
.L_simem_size_0:
called_computation_lowered:
.L_overlay_start_0:
0x88: {  	s2 =	sld [smem:$0x3FD9]  }
0x89: {  	s3 =	sld [smem:$0x3FFE];
	_ =	sdelay $0x1  }
0x8a: {  	s1 =	srdreg.scid  }
0x8b: {  	s0 =	sand.u32 $0x1, s1  }
0x8c: {  	s17 =	sshll.u32 s0, $0xA;
	s2 =	sadd.s32 s3, s2  }
0x8d: {  	s2 =	sadd.s32 s2, s17  }
0x8e: {  	[smem:$0x3FC4] =	sst s2  }
0x8f: {  	_ = 	snop  }
0x90: {  	s2 =	sld [smem:$0x3FC9]  }
0x91: {  	s18 =	sld [smem:$0x3FC8]  }
0x92: {  	s4 =	sld [smem:$0x3FD0];
	(tm) =	ssettm $0x1  }
0x93: {  	s5 =	sld [smem:$0x3FFB];
	_ =	sdelay $0x3  }
0x94: {  	_ =	strace s5  }
0x95: {  	s5 =	sld [smem:$0x3FFC];
	_ =	sdelay $0x3  }
0x96: {  	_ =	strace s5  }
0x97: {  	s5 =	sld [smem:$0x3FFD];
	_ =	sdelay $0x3  }
0x98: {  	_ =	strace s5  }
0x99: {  	_ =	strace $0x8FFFFFFF  }
0x9a: {  	s19 =	sld [smem:$0x3FDB];
	_ =	sdelay $0x1  }
0x9b: {  	s6 =	simm.s32 $_scs_section_size  }
0x9c: {  	s7 =	simm.s32 $_size__tile_overlayer_lowered;
	s8 =	simm.s32 $_tile_overlayer_lowered  }
0x9d: {  	s22 =	simm.s32 $0x1BFF;
	s21 =	sshll.u32 s8, $0x1;
	s5 =	sadd.s32 s6, s19  }
0x9e: {  	s9 =	simm.s32 $0x0;
	s20 =	sshll.u32 s7, $0x1;
	s7 =	sadd.s32 s21, s5  }
0x9f: {  	[timem:s9], [sflag:s22] =	dma.local [hbm:s7], s20  }
0xa0: {  	_ =	swait.ge [sflag:s22], s20  }
0xa1: {  	s6 =	ssub.s32 $0x0, s20;
	[sflag:s22] =	ssyncset.done $0x0  }
0xa2: {  	[sflag:s22] =	ssyncadd.s32 s6;
	_ =	sdelay $0x1  }
0xa3: {  	s23 =	simm.s32 $0x1B8B  }
0xa4: {  	_ =	swait.ge [sflag:s23], $0x1  }
0xa5: {  	[sflag:s23] =	ssyncset.done $0x0  }
0xa6: {  	s25 =	simm.s32 $0x1B8E;
	s24 =	sld [smem:$0x3FFE];
	[sflag:s23] =	ssyncadd.s32 $0xFFFFFFFF  }
0xa7: {  	s26 =	simm.s32 $execute0_lowered;
	[smem:$0x3FD2] =	sst s25  }
0xa8: {  	s7 =	sshll.u32 s26, $0x1;
	_ =	strace $0x80000046;
	[dreg:$0x1] =	wrdreg $0xFFFFFFFF  }
0xa9: {  	s28 =	simm.s32 $_size_execute0_lowered;
	s5 =	sadd.s32 s5, s7;
	[dreg:$0x0] =	wrdreg $0x0  }
0xaa: {  	s7 =	sshll.u32 s28, $0x1;
	[dreg:$0x2] =	wrdreg s5  }
0xab: {  	[dreg:$0x3] =	wrdreg s7  }
0xac: {  	[dreg:$0x4] =	wrdreg $0xC0  }
0xad: {  	_ =	task [dreg:s9], $0x5FFFF  }
0xae: {  	[dreg:$0x1] =	wrdreg $0xFFFFFFFF  }
0xaf: {  	[dreg:$0x0] =	wrdreg $0x60  }
0xb0: {  	[dreg:$0x2] =	wrdreg s2  }
0xb1: {  	[dreg:$0x3] =	wrdreg s18  }
0xb2: {  	[dreg:$0x4] =	wrdreg s24  }
0xb3: {  	[dreg:$0x5] =	wrdreg s4  }
0xb4: {  	[dreg:$0x6] =	wrdreg $0x106000  }
0xb5: {  	[dreg:$0x7] =	wrdreg $0x115A00  }
0xb6: {  	[dreg:$0x8] =	wrdreg $0x9  }
0xb7: {  	_ =	task.clear_ibuf [dreg:s9], $0x9FFFF;
	_ =	strace $0x90000046  }
0xb8: {  	s29 =	simm.s32 $0x9;
	_ =	strace $0x80000048  }
0xb9: {  	_ =	swait.ge [sflag:s29], $0x1  }
0xba: {  	[sflag:s29] =	ssyncadd.s32 $0xFFFFFFFF  }
0xbb: {  	_ =	strace $0x90000048  }
0xbc: {  	_ =	sfence  }
0xbd: {  	s30 =	sld [smem:$0x0];
	_ =	sdelay $0x2  }
0xbe: {  	s31 =	sshll.u32 s1, $0xD;
	s1 =	sshrl.u32 s1, $0x2  }
0xbf: {  	s3 =	sand.u32 $0x4000, s31;
	s1 =	sadd.s32 s1, s30  }
0xc0: {  	s0 =	sor.u32 s3, s0;
	s1 =	sshll.u32 s1, $0x11  }
0xc1: {  	s0 =	sor.u32 s1, s0  }
0xc2: {  	s0 =	sadd.s32 $0x8F2B, s0  }
0xc3: {  	[sflag:s0] =	ssyncadd.remote.s32 $0x1  }
0xc4: {  	_ =	sfence.sel $0xFFFF  }
0xc5: {  	[dreg:$0x0] =	wrdreg $0xFFFFFFFF;
	(pc) =	sbr.abs _section_cstart, $3  }
0xc6: {  	[dreg:$0x1] =	wrdreg $0xFFFFFFFF  }
0xc7: {  	_ =	task.clear_ibuf [dreg:s9], $0x2FFFF;
	_ =	strace $0x9FFFFFFF  }
0xc8: {  	(tm) =	ssettm $0x7FFFFFFF  }
0xc9: {  	_ =	shalt  }
tec
execute0_lowered:
.L_overlay_start_1:
0x0: {  	(tag) =	ssettag $0x1  }
0x1: {  	s0 =	rddreg [dreg:$0x0]  }
0x2: {  	s3 =	rddreg [dreg:$0x1]  }
0x3: {  	s5 =	rddreg [dreg:$0x2]  }
0x4: {  	s6 =	rddreg [dreg:$0x3]  }
0x5: {  	s1 =	rddreg [dreg:$0x4]  }
0x6: {  	s2 =	rddreg [dreg:$0x5];
	s4 =	simm.s32 $0x0;
	s7 =	srdreg.scid  }
0x7: {  	s16 =	stileid.u32;
	s19 =	simm.s32 $0x9;
	s20 =	simm.s32 $0xA  }
0x8: {  	s21 =	simm.s32 $0x100;
	s28 =	simm.s32 $0x1;
	s29 =	simm.s32 $0x2  }
0x9: {  	s30 =	simm.s32 $0x10400;
	s31 =	simm.s32 $0x3;
	s22 =	simm.s32 $0x0  }
0xa: {  	[smem:$0x7FF] =	sst s4;
	s7 =	sand.u32 $0x1, s7;
	s8 =	sshll.u32 s16, $0x9  }
0xb: {  	s11 =	sshll.u32 s16, $0x7;
	s24 =	sshll.u32 s16, $0xC;
	s26 =	sadd.s32 $0x2400, s5  }
0xc: {  	s13 =	sadd.s32 $0xF000, s2;
	p0 =	seq.s32 s16, $0xF;
	_ =	strace $0x80000047  }
0xd: {  	s9 =	ssub.s32 $0x2, s7;
	s7 =	sshll.u32 s7, $0x6;
	s8 =	sadd.s32 s8, s5  }
0xe: {  	[dreg:$0xb] =	wrdreg s26;
	s5 =	sadd.s32 $0x4400, s5;
	s15 =	sshrl.u32 @p0 s13, $0x3  }
0xf: {  	s10 =	sshrl.u32 s9, $0x1;
	s7 =	sor.u32 s7, s11;
	s25 =	sadd.s32 $0x600, s8  }
0x10: {  	s8 =	sadd.s32 $0x2600, s8;
	[dreg:$0xc] =	wrdreg s5;
	s5 =	sshll.u32 @!p0 s16, $0x6  }
0x11: {  	s9 =	ssub.s32 s9, s10;
	s0 =	sadd.s32 s0, s7;
	[dreg:$0x9] =	wrdreg s25  }
0x12: {  	s23 =	sadd.s32 s3, s7;
	s3 =	sadd.s32 s24, s1;
	[dreg:$0xa] =	wrdreg s8  }
0x13: {  	s8 =	sadd.s32 $0xF000, s1;
	s11 =	sadd.s32 s6, s7;
	[dreg:$0x7] =	wrdreg s0  }
0x14: {  	v0 =	vimm.s32 $0x0;
	vm0 =	vcmask $0x300;
	s16 =	sor.u32 @!p0 $0x1C0B, s5;
	[dreg:$0x8] =	wrdreg s23;
	s0 =	sadd.s32 s24, s2  }
0x15: {  	v0 =	vsel vm0, $0x3, v0;
	vm0 =	vcmask $0x3F3C;
	s12 =	smax.u32 s9, $0x1;
	s14 =	sshrl.u32 @p0 s8, $0x3;
	s17 =	sshrl.u32 @!p0 s3, $0x3  }
0x16: {  	s3 =	simm.s32 $0xB;
	s18 =	sshrl.u32 @!p0 s0, $0x3;
	s0 =	simm.s32 $0x4  }
.LBB2_1:
0x17: {  	s5 =	rddreg [dreg:$0x7]  }
0x18: {  	[tilespmem:s4], [sflag:$0x9] =	stream.linear.gather [hbm4b:s5+s4], $0x200, $0x38;
	[tilespmem:$0x12540] =	vst v63  }
0x19: {  	s6 =	rddreg [dreg:$0x8];
	s8 =	simm.s32 $0x200  }
0x1a: {  	[tilespmem:s8], [sflag:$0xA] =	stream.linear.gather [hbm4b:s6+s4], $0x200, $0x38;
	[tilespmem:$0x12540] =	vst v63  }
0x1b: {  	s5 =	simm.s32 @p0 $0x1FCB;
	s6 =	rddreg [dreg:$0xb]  }
0x1c: {  	[spmem:s14], [sflag:s5] =	dma.local @p0 [hbm:s6], $0x140  }
0x1d: {  	s6 =	simm.s32 @p0 $0xB  }
0x1e: {  	_ =	swait.ge @p0 [sflag:s6], $0x140  }
0x1f: {  	[sflag:s6] =	ssyncset.done @p0 $0x0  }
0x20: {  	s7 =	rddreg [dreg:$0xc];
	[sflag:s6] =	ssyncadd.s32 @p0 $0xFFFFFEC0  }
0x21: {  	[spmem:s15], [sflag:s5] =	dma.local @p0 [hbm:s7], $0x140  }
0x22: {  	_ =	swait.ge @p0 [sflag:s6], $0x140  }
0x23: {  	[sflag:s6] =	ssyncset.done @p0 $0x0  }
0x24: {  	s5 =	rddreg [dreg:$0x9];
	[sflag:s6] =	ssyncadd.s32 @p0 $0xFFFFFEC0  }
0x25: {  	[spmem:s17], [sflag:s16] =	dma.local @!p0 [hbm:s5], $0x200  }
0x26: {  	s5 =	simm.s32 @!p0 $0xB  }
0x27: {  	_ =	swait.ge @!p0 [sflag:s5], $0x200  }
0x28: {  	[sflag:s5] =	ssyncset.done @!p0 $0x0  }
0x29: {  	s6 =	rddreg [dreg:$0xa];
	[sflag:s5] =	ssyncadd.s32 @!p0 $0xFFFFFE00  }
0x2a: {  	[spmem:s18], [sflag:s16] =	dma.local @!p0 [hbm:s6], $0x200  }
0x2b: {  	_ =	swait.ge @!p0 [sflag:s5], $0x200  }
0x2c: {  	[sflag:s5] =	ssyncset.done @!p0 $0x0  }
0x2d: {  	[sflag:s5] =	ssyncadd.s32 @!p0 $0xFFFFFE00  }
0x2e: {  	[bflag:$0x0] =	sbarrier.arrive $0xFFFF  }
0x2f: {  	_ =	swait.ge [sflag:s19], $0x200  }
0x30: {  	[sflag:s19] =	ssyncset.done $0x0  }
0x31: {  	[sflag:s19] =	ssyncadd.s32 $0xFFFFFE00  }
0x32: {  	_ =	swait.ge [sflag:s20], $0x200  }
0x33: {  	[sflag:s20] =	ssyncset.done $0x0  }
0x34: {  	s7 =	simm.s32 $0x400;
	[sflag:s20] =	ssyncadd.s32 $0xFFFFFE00  }
0x35: {  	[tilespmem:s7], [sflag:$0x1] =	stream.indirect.gather [spmem:s1], $0x40, s4, s21, $0xb8;
	[tilespmem:$0x12540] =	vst v63  }
0x36: {  	s9 =	simm.s32 $0x8400  }
0x37: {  	[tilespmem:s9], [sflag:$0x2] =	stream.indirect.gather [spmem:s2], $0x40, s8, s21, $0xb8;
	[tilespmem:$0x12540] =	vst v63  }
0x38: {  	s10 =	simm.s32 $0x4400  }
0x39: {  	[tilespmem:s10], [sflag:$0x3] =	stream.indirect.gather [spmem:s1], $0x40, s21, s21, $0xb8;
	[tilespmem:$0x12540] =	vst v63  }
0x3a: {  	s13 =	simm.s32 $0x300;
	s23 =	simm.s32 $0xC400  }
0x3b: {  	[tilespmem:s23], [sflag:$0x4] =	stream.indirect.gather [spmem:s2], $0x40, s13, s21, $0xb8;
	[tilespmem:$0x12540] =	vst v63  }
0x3c: {  	_ =	swait.ge [sflag:s28], $0x4000  }
0x3d: {  	[sflag:s28] =	ssyncset.done $0x0  }
0x3e: {  	[sflag:s28] =	ssyncadd.s32 $0xFFFFC000  }
0x3f: {  	_ =	swait.ge [sflag:s29], $0x4000  }
0x40: {  	[sflag:s29] =	ssyncset.done $0x0  }
0x41: {  	s7 =	simm.s32 $0x500;
	[sflag:s29] =	ssyncadd.s32 $0xFFFFC000  }
0x42: {  	s6 =	simm.s32 $0x8500;
	v1 =	vld [tilespmem:s7+$0x0]  }
0x43: {  	v2 =	vld [tilespmem:s6+$0x0]  }
0x44: {  	v3 =	vld [tilespmem:s7+$0x10]  }
0x45: {  	v4 =	vld [tilespmem:s6+$0x10]  }
0x46: {  	v5 =	vld [tilespmem:s7+$0x20]  }
0x47: {  	v6 =	vld [tilespmem:s6+$0x20]  }
0x48: {  	v7 =	vld [tilespmem:s7+$0x30]  }
0x49: {  	v8 =	vld [tilespmem:s6+$0x30];
	_ =	sdelay $0x3  }
0x4a: {  	v1 =	vmul.f32 v2, v1;
	v2 =	vmul.f32 v4, v3  }
0x4b: {  	v3 =	vmul.f32 v6, v5;
	v4 =	vmul.f32 v8, v7;
	_ =	sdelay $0x1  }
0x4c: {  	v9 =	vld [tilespmem:s7+$0xFFFFFF00];
	v1 =	vadd.f32 v2, v1;
	v2 =	vadd.f32 v4, v3  }
0x4d: {  	v5 =	vld [tilespmem:s6+$0xFFFFFF00]  }
0x4e: {  	v6 =	vld [tilespmem:s6+$0xFFFFFF20];
	v1 =	vadd.f32 v2, v1  }
0x4f: {  	v8 =	vld [tilespmem:s6+$0xFFFFFF30]  }
0x50: {  	s24 =	simm.s32 $0x4;
	v3 =	vld [tilespmem:s7+$0xFFFFFF10];
	(xrf2) =	vadd.scan.msk.f32 $0xffff, v1  }
0x51: {  	v7 =	vmov s24;
	v4 =	vld [tilespmem:s6+$0xFFFFFF10]  }
0x52: {  	v7 =	vshrl.u32 v7, $0x3;
	v2 =	vld [tilespmem:s7+$0xFFFFFF20]  }
0x53: {  	v7 =	vshll.u32 v7, v0;
	v1 =	vld [tilespmem:s7+$0xFFFFFF30]  }
0x54: {  	v7 =	vadd.s32 $0x4, v7  }
0x55: {  	v7 =	vbroadcast v7, $0x0  }
0x56: {  	v3 =	vmul.f32 v4, v3  }
0x57: {  	v4 =	vmul.f32 v5, v9  }
0x58: {  	v2 =	vmul.f32 v6, v2;
	v1 =	vmul.f32 v8, v1;
	_ =	sdelay $0x1  }
0x59: {  	v1 =	vadd.f32 v1, v2;
	v2 =	vadd.f32 v3, v4;
	v3, _, _ =	vpop (xrf2)  }
0x5a: {  	[tilespmem:v7+s30+$0x0] =	vst.idx.msk vm0, v3  }
0x5b: {  	v1 =	vadd.f32 v1, v2;
	v2 =	vld [tilespmem:s7+$0x40]  }
0x5c: {  	v3 =	vld [tilespmem:s6+$0x40]  }
0x5d: {  	(xrf2) =	vadd.scan.msk.f32 $0xffff, v1;
	v1 =	vld [tilespmem:s7+$0x50]  }
0x5e: {  	v4 =	vld [tilespmem:s6+$0x50]  }
0x5f: {  	v6 =	vld [tilespmem:s7+$0x60]  }
0x60: {  	v7 =	vld [tilespmem:s6+$0x60]  }
0x61: {  	v8 =	vld [tilespmem:s7+$0x70]  }
0x62: {  	v5 =	vmov s4;
	v9 =	vld [tilespmem:s6+$0x70]  }
0x63: {  	v5 =	vshrl.u32 v5, $0x3  }
0x64: {  	v5 =	vshll.u32 v5, v0  }
0x65: {  	v5 =	vbroadcast v5, $0x0  }
0x66: {  	v2 =	vmul.f32 v3, v2;
	v1 =	vmul.f32 v4, v1  }
0x67: {  	v4 =	vmul.f32 v7, v6;
	v6 =	vmul.f32 v9, v8  }
0x68: {  	s23 =	simm.s32 $0x8700  }
0x69: {  	v11 =	vld [tilespmem:s23+$0x0];
	v1 =	vadd.f32 v1, v2;
	v2 =	vadd.f32 v6, v4  }
0x6a: {  	v13 =	vld [tilespmem:s23+$0x10];
	v3, _, _ =	vpop (xrf2)  }
0x6b: {  	v15 =	vld [tilespmem:s23+$0x20];
	v1 =	vadd.f32 v2, v1;
	[tilespmem:v5+s30+$0x0] =	vst.idx.msk vm0, v3  }
0x6c: {  	v3 =	vld [tilespmem:s7+$0xFFFFFF40]  }
0x6d: {  	s25 =	simm.s32 $0x5;
	v4 =	vld [tilespmem:s6+$0xFFFFFF40];
	(xrf2) =	vadd.scan.msk.f32 $0xffff, v1  }
0x6e: {  	v7 =	vmov s25;
	v5 =	vld [tilespmem:s7+$0xFFFFFF50]  }
0x6f: {  	v7 =	vshrl.u32 v7, $0x3;
	v2 =	vld [tilespmem:s6+$0xFFFFFF50]  }
0x70: {  	v7 =	vshll.u32 v7, v0;
	v6 =	vld [tilespmem:s7+$0xFFFFFF60]  }
0x71: {  	v7 =	vadd.s32 $0x5, v7;
	v1 =	vld [tilespmem:s6+$0xFFFFFF60]  }
0x72: {  	v7 =	vbroadcast v7, $0x0;
	v8 =	vld [tilespmem:s7+$0xFFFFFF70]  }
0x73: {  	s24 =	simm.s32 $0x700;
	v9 =	vld [tilespmem:s6+$0xFFFFFF70]  }
0x74: {  	v10 =	vld [tilespmem:s24+$0x0]  }
0x75: {  	v12 =	vld [tilespmem:s24+$0x10]  }
0x76: {  	v14 =	vld [tilespmem:s24+$0x20]  }
0x77: {  	v16 =	vld [tilespmem:s24+$0x30];
	v3 =	vmul.f32 v4, v3;
	v2 =	vmul.f32 v2, v5;
	v17, _, _ =	vpop (xrf2)  }
0x78: {  	v4 =	vld [tilespmem:s23+$0x30];
	v1 =	vmul.f32 v1, v6;
	v5 =	vmul.f32 v9, v8;
	[tilespmem:v7+s30+$0x0] =	vst.idx.msk vm0, v17  }
0x79: {  	v6 =	vld [tilespmem:s7+$0x80]  }
0x7a: {  	v2 =	vadd.f32 v2, v3;
	v1 =	vadd.f32 v5, v1;
	v7 =	vld [tilespmem:s6+$0x80]  }
0x7b: {  	v3 =	vld [tilespmem:s7+$0x90]  }
0x7c: {  	v1 =	vadd.f32 v1, v2;
	v5 =	vld [tilespmem:s6+$0x90]  }
0x7d: {  	v2 =	vld [tilespmem:s7+$0xA0]  }
0x7e: {  	s26 =	simm.s32 $0x1;
	v10 =	vmul.f32 v11, v10;
	v11 =	vmul.f32 v13, v12;
	(xrf2) =	vadd.scan.msk.f32 $0xffff, v1;
	v9 =	vld [tilespmem:s7+$0xB0]  }
0x7f: {  	v21 =	vmul.f32 v15, v14;
	v4 =	vmul.f32 v4, v16;
	v1 =	vmov s26;
	v20 =	vld [tilespmem:s6+$0xB0]  }
0x80: {  	v8 =	vld [tilespmem:s6+$0xA0];
	v1 =	vshrl.u32 v1, $0x3  }
0x81: {  	v10 =	vadd.f32 v11, v10;
	v4 =	vadd.f32 v4, v21;
	v1 =	vshll.u32 v1, v0  }
0x82: {  	v22 =	vld [tilespmem:s23+$0xFFFFFF00];
	v1 =	vadd.s32 $0x1, v1  }
0x83: {  	v11 =	vld [tilespmem:s24+$0xFFFFFF10];
	v4 =	vadd.f32 v4, v10;
	v1 =	vbroadcast v1, $0x0  }
0x84: {  	v10 =	vld [tilespmem:s23+$0xFFFFFF30];
	v6 =	vmul.f32 v7, v6;
	v7 =	vmul.f32 v20, v9  }
0x85: {  	(xrf2) =	vadd.scan.msk.f32 $0xffff, v4;
	v4 =	vld [tilespmem:s24+$0xFFFFFF30];
	v3 =	vmul.f32 v5, v3;
	v2 =	vmul.f32 v8, v2  }
0x86: {  	s8 =	simm.s32 $0xC;
	v5 =	vld [tilespmem:s23+$0xFFFFFF10]  }
0x87: {  	v8 =	vld [tilespmem:s24+$0xFFFFFF20];
	v3 =	vadd.f32 v3, v6;
	v2 =	vadd.f32 v7, v2;
	v6 =	vmov s8  }
0x88: {  	v9 =	vld [tilespmem:s23+$0xFFFFFF20];
	v6 =	vshrl.u32 v6, $0x3;
	v7, _, _ =	vpop (xrf2)  }
0x89: {  	v2 =	vadd.f32 v2, v3;
	v3 =	vshll.u32 v6, v0;
	[tilespmem:v1+s30+$0x0] =	vst.idx.msk vm0, v7;
	v1 =	vld [tilespmem:s24+$0xFFFFFF00]  }
0x8a: {  	v3 =	vadd.s32 $0x4, v3;
	v6 =	vld [tilespmem:s7+$0xFFFFFF80]  }
0x8b: {  	(xrf2) =	vadd.scan.msk.f32 $0xffff, v2;
	v2 =	vld [tilespmem:s6+$0xFFFFFF80];
	v3 =	vbroadcast v3, $0x0  }
0x8c: {  	v23 =	vld [tilespmem:s7+$0xFFFFFF90]  }
0x8d: {  	s9 =	simm.s32 $0x6;
	v24 =	vld [tilespmem:s6+$0xFFFFFF90]  }
0x8e: {  	v7 =	vmov s9;
	v5 =	vmul.f32 v5, v11;
	v11 =	vld [tilespmem:s7+$0xFFFFFFA0]  }
0x8f: {  	v8 =	vmul.f32 v9, v8;
	v7 =	vshrl.u32 v7, $0x3;
	v9 =	vld [tilespmem:s6+$0xFFFFFFA0]  }
0x90: {  	v4 =	vmul.f32 v10, v4;
	v10 =	vld [tilespmem:s7+$0xFFFFFFB0];
	v7 =	vshll.u32 v7, v0;
	v25, _, _ =	vpop (xrf2);
	v1 =	vmul.f32 v22, v1  }
0x91: {  	v26 =	vld [tilespmem:s6+$0xFFFFFFB0];
	v7 =	vadd.s32 $0x6, v7;
	[tilespmem:v3+s30+$0x0] =	vst.idx.msk vm0, v25  }
0x92: {  	v7 =	vbroadcast v7, $0x0;
	v3 =	vadd.f32 v4, v8;
	v1 =	vadd.f32 v5, v1;
	v4 =	vld [tilespmem:s24+$0x40]  }
0x93: {  	v5 =	vld [tilespmem:s23+$0x40]  }
0x94: {  	v14 =	vld [tilespmem:s23+$0x50];
	v1 =	vadd.f32 v3, v1  }
0x95: {  	v29 =	vld [tilespmem:s24+$0x60]  }
0x96: {  	v30 =	vld [tilespmem:s23+$0x60];
	v8, _, _ =	vpop (xrf2);
	(xrf2) =	vadd.scan.msk.f32 $0xffff, v1  }
0x97: {  	s25 =	simm.s32 $0x8;
	v2 =	vmul.f32 v2, v6;
	v18 =	vld [tilespmem:s24+$0x70]  }
0x98: {  	v6 =	vmul.f32 v24, v23;
	v3 =	vld [tilespmem:s24+$0x50];
	[tilespmem:v7+s30+$0x0] =	vst.idx.msk vm0, v8;
	v8 =	vmul.f32 v9, v11;
	v9 =	vmov s25  }
0x99: {  	v1 =	vld [tilespmem:s7+$0xC0];
	v9 =	vshrl.u32 v9, $0x3  }
0x9a: {  	v2 =	vadd.f32 v6, v2;
	v7 =	vld [tilespmem:s6+$0xC0];
	v6 =	vshll.u32 v9, v0  }
0x9b: {  	v11 =	vld [tilespmem:s7+$0xD0];
	v6 =	vbroadcast v6, $0x0  }
0x9c: {  	v10 =	vmul.f32 v26, v10;
	v27 =	vld [tilespmem:s6+$0xD0]  }
0x9d: {  	v28 =	vld [tilespmem:s6+$0xF0]  }
0x9e: {  	v8 =	vadd.f32 v10, v8;
	v9 =	vld [tilespmem:s7+$0xE0]  }
0x9f: {  	v10 =	vld [tilespmem:s6+$0xE0]  }
0xa0: {  	v2 =	vadd.f32 v8, v2;
	v8 =	vld [tilespmem:s7+$0xF0];
	v31, _, _ =	vpop (xrf2)  }
0xa1: {  	[tilespmem:v6+s30+$0x0] =	vst.idx.msk vm0, v31;
	v6 =	vld [tilespmem:s23+$0x70]  }
0xa2: {  	(xrf2) =	vadd.scan.msk.f32 $0xffff, v2  }
0xa3: {  	v4 =	vmul.f32 v5, v4;
	v33 =	vmul.f32 v30, v29  }
0xa4: {  	s5 =	simm.s32 $0x900;
	v1 =	vmul.f32 v7, v1;
	v7 =	vmul.f32 v27, v11  }
0xa5: {  	v36 =	vld [tilespmem:s5+$0x0];
	v9 =	vmul.f32 v10, v9;
	v8 =	vmul.f32 v28, v8  }
0xa6: {  	s10 =	simm.s32 $0x2;
	v38 =	vld [tilespmem:s5+$0x10];
	v3 =	vmul.f32 v14, v3;
	v6 =	vmul.f32 v6, v18  }
0xa7: {  	v46 =	vld [tilespmem:s5+$0xFFFFFF10];
	v2 =	vmov s10;
	v1 =	vadd.f32 v7, v1;
	v7 =	vadd.f32 v8, v9  }
0xa8: {  	v48 =	vld [tilespmem:s5+$0xFFFFFF20];
	v3 =	vadd.f32 v3, v4;
	v2 =	vshrl.u32 v2, $0x3;
	v4 =	vadd.f32 v6, v33  }
0xa9: {  	v49 =	vld [tilespmem:s5+$0xFFFFFF30];
	v2 =	vshll.u32 v2, v0;
	v1 =	vadd.f32 v7, v1  }
0xaa: {  	v20 =	vld [tilespmem:s5+$0x20];
	v2 =	vadd.s32 $0x2, v2;
	v3 =	vadd.f32 v4, v3  }
0xab: {  	v2 =	vbroadcast v2, $0x0;
	v17 =	vld [tilespmem:s24+$0xFFFFFF40];
	(xrf2) =	vadd.scan.msk.f32 $0xffff, v1  }
0xac: {  	s13 =	simm.s32 $0xD;
	v11 =	vld [tilespmem:s23+$0xFFFFFF40];
	v9, _, _ =	vpop (xrf2);
	(xrf2) =	vadd.scan.msk.f32 $0xffff, v3  }
0xad: {  	v5 =	vld [tilespmem:s24+$0xFFFFFF60];
	v6 =	vmov s13  }
0xae: {  	v8 =	vld [tilespmem:s23+$0xFFFFFF60];
	v6 =	vshrl.u32 v6, $0x3  }
0xaf: {  	v10 =	vld [tilespmem:s24+$0xFFFFFF50];
	v6 =	vshll.u32 v6, v0  }
0xb0: {  	v34 =	vld [tilespmem:s24+$0xFFFFFF70];
	v6 =	vadd.s32 $0x5, v6  }
0xb1: {  	[tilespmem:v2+s30+$0x0] =	vst.idx.msk vm0, v9;
	v2 =	vld [tilespmem:s23+$0xFFFFFF70];
	v6 =	vbroadcast v6, $0x0  }
0xb2: {  	v32 =	vld [tilespmem:s23+$0xFFFFFF50]  }
0xb3: {  	v5 =	vmul.f32 v8, v5;
	v8 =	vld [tilespmem:s5+$0x30];
	s13 =	simm.s32 $0x8900  }
0xb4: {  	v37 =	vld [tilespmem:s13+$0x0]  }
0xb5: {  	v19 =	vld [tilespmem:s13+$0x10];
	v39, _, _ =	vpop (xrf2)  }
0xb6: {  	v40 =	vld [tilespmem:s13+$0x20];
	v2 =	vmul.f32 v2, v34;
	v41, _, _ =	vpop (xrf2)  }
0xb7: {  	v11 =	vmul.f32 v11, v17;
	v10 =	vmul.f32 v32, v10;
	v21 =	vld [tilespmem:s13+$0x30];
	[tilespmem:v6+s30+$0x0] =	vst.idx.msk vm0, v41  }
0xb8: {  	v2 =	vadd.f32 v2, v5;
	v5 =	vld [tilespmem:s24+$0x80]  }
0xb9: {  	v6 =	vadd.f32 v10, v11;
	v10 =	vld [tilespmem:s23+$0x80]  }
0xba: {  	v11 =	vld [tilespmem:s23+$0x90]  }
0xbb: {  	v22 =	vld [tilespmem:s23+$0xA0]  }
0xbc: {  	v23 =	vld [tilespmem:s24+$0xB0]  }
0xbd: {  	v44 =	vld [tilespmem:s23+$0xB0];
	v2 =	vadd.f32 v2, v6  }
0xbe: {  	v15 =	vmul.f32 v37, v36;
	v43 =	vmul.f32 v19, v38;
	v6 =	vld [tilespmem:s24+$0x90]  }
0xbf: {  	s26 =	simm.s32 $0x9;
	v17 =	vmul.f32 v40, v20;
	v8 =	vmul.f32 v21, v8;
	(xrf2) =	vadd.scan.msk.f32 $0xffff, v2;
	v2 =	vld [tilespmem:s24+$0xA0]  }
0xc0: {  	v42 =	vmov s26;
	v1 =	vld [tilespmem:s6+$0xFFFFFFC0]  }
0xc1: {  	v14 =	vshrl.u32 v42, $0x3;
	v7 =	vld [tilespmem:s6+$0xFFFFFFD0];
	v15 =	vadd.f32 v43, v15;
	v8 =	vadd.f32 v8, v17  }
0xc2: {  	v14 =	vshll.u32 v14, v0;
	v9 =	vld [tilespmem:s7+$0xFFFFFFE0]  }
0xc3: {  	v35 =	vld [tilespmem:s6+$0xFFFFFFE0];
	v8 =	vadd.f32 v8, v15;
	v5 =	vmul.f32 v10, v5;
	v6 =	vmul.f32 v11, v6  }
0xc4: {  	v14 =	vadd.s32 $0x1, v14;
	v45 =	vld [tilespmem:s13+$0xFFFFFF00];
	v11 =	vmul.f32 v44, v23;
	v2 =	vmul.f32 v22, v2  }
0xc5: {  	s9 =	simm.s32 $0x14;
	v14 =	vbroadcast v14, $0x0;
	v47 =	vld [tilespmem:s13+$0xFFFFFF10];
	(xrf2) =	vadd.scan.msk.f32 $0xffff, v8  }
0xc6: {  	v51 =	vld [tilespmem:s13+$0xFFFFFF30];
	v8 =	vmov s9;
	v5 =	vadd.f32 v6, v5;
	v2 =	vadd.f32 v11, v2  }
0xc7: {  	v59 =	vld [tilespmem:s7+$0xFFFFFFF0];
	v8 =	vshrl.u32 v8, $0x3  }
0xc8: {  	v4 =	vld [tilespmem:s7+$0xFFFFFFC0];
	v2 =	vadd.f32 v2, v5;
	v5 =	vshll.u32 v8, v0  }
0xc9: {  	v3 =	vld [tilespmem:s7+$0xFFFFFFD0];
	v5 =	vadd.s32 $0x4, v5  }
0xca: {  	s10 =	simm.s32 $0xE;
	v10 =	vld [tilespmem:s13+$0xFFFFFF20];
	v50, _, _ =	vpop (xrf2);
	(xrf2) =	vadd.scan.msk.f32 $0xffff, v2;
	v2 =	vbroadcast v5, $0x0  }
0xcb: {  	s26 =	simm.s32 $0x7;
	v52 =	vmov s10;
	v6 =	vld [tilespmem:s5+$0xFFFFFF00];
	[tilespmem:v14+s30+$0x0] =	vst.idx.msk vm0, v50  }
0xcc: {  	v54 =	vmov s26;
	v20 =	vmul.f32 v47, v46;
	v17 =	vshrl.u32 v52, $0x3;
	v11 =	vld [tilespmem:s24+$0xFFFFFF80]  }
0xcd: {  	v1 =	vmul.f32 v1, v4;
	v17 =	vshll.u32 v17, v0;
	v23 =	vshrl.u32 v54, $0x3;
	v8 =	vld [tilespmem:s23+$0xFFFFFF80]  }
0xce: {  	v4 =	vadd.s32 $0x6, v17;
	v15 =	vmul.f32 v51, v49;
	v55 =	vshll.u32 v23, v0;
	v14 =	vld [tilespmem:s24+$0xFFFFFF90]  }
0xcf: {  	v57 =	vbroadcast v4, $0x0;
	v4 =	vadd.s32 $0x7, v55;
	v10 =	vmul.f32 v10, v48;
	v58, _, _ =	vpop (xrf2);
	v5 =	vld [tilespmem:s23+$0xFFFFFF90]  }
0xd0: {  	v53 =	vld [tilespmem:s24+$0xFFFFFFA0];
	[tilespmem:v2+s30+$0x0] =	vst.idx.msk vm0, v58;
	v2 =	vbroadcast v4, $0x0;
	v4 =	vmul.f32 v45, v6  }
0xd1: {  	v24 =	vld [tilespmem:s23+$0xFFFFFFA0]  }
0xd2: {  	v61 =	vmul.f32 v7, v3;
	v25 =	vld [tilespmem:s24+$0xFFFFFFB0];
	v6 =	vadd.f32 v15, v10;
	v7 =	vadd.f32 v20, v4  }
0xd3: {  	v56 =	vld [tilespmem:s23+$0xFFFFFFB0]  }
0xd4: {  	v60 =	vld [tilespmem:s6+$0xFFFFFFF0];
	v15 =	vadd.f32 v6, v7;
	_ =	sdelay $0x1  }
0xd5: {  	v13 =	vmul.f32 v35, v9;
	v3 =	vld [tilespmem:s5+$0x40];
	(xrf2) =	vadd.scan.msk.f32 $0xffff, v15  }
0xd6: {  	s26 =	simm.s32 $0x10;
	v8 =	vmul.f32 v8, v11;
	v9 =	vmul.f32 v5, v14;
	v5 =	vld [tilespmem:s5+$0x50]  }
0xd7: {  	v10 =	vmul.f32 v24, v53;
	v11 =	vmul.f32 v56, v25;
	v4 =	vld [tilespmem:s13+$0x40];
	v62, _, _ =	vpop (xrf2);
	v7 =	vmov s26  }
0xd8: {  	v63 =	vmul.f32 v60, v59;
	v9 =	vadd.f32 v9, v8;
	v6 =	vld [tilespmem:s13+$0x50];
	[tilespmem:v57+s30+$0x0] =	vst.idx.msk vm0, v62;
	v8 =	vshrl.u32 v7, $0x3  }
0xd9: {  	v10 =	vadd.f32 v11, v10;
	v7 =	vld [tilespmem:s24+$0xC0];
	[tilespmem:v2+s30+$0x0] =	vst.idx.msk vm0, v39;
	v2 =	vshll.u32 v8, v0  }
0xda: {  	s8 =	simm.s32 $0x900;
	v1 =	vadd.f32 v61, v1;
	v8 =	vld [tilespmem:s23+$0xC0];
	v11 =	vbroadcast v2, $0x0  }
0xdb: {  	s6 =	simm.s32 $0x0;
	s7 =	simm.s32 $0x8900;
	s9 =	simm.s32 $0x18;
	v10 =	vadd.f32 v10, v9;
	v9 =	vld [tilespmem:s24+$0xD0];
	v2 =	vadd.f32 v63, v13  }
.LBB2_2:
0xdc: {  	p1 =	slt.u32 s9, $0xF8;
	v12 =	vld [tilespmem:s23+$0xD0]  }
0xdd: {  	s10 =	sadd.s32 $0x2, s25;
	v13 =	vld [tilespmem:s24+$0xE0];
	(xrf2) =	vadd.scan.msk.f32 $0xffff, v10;
	v1 =	vadd.f32 v2, v1  }
0xde: {  	v2 =	vmov s10;
	v10 =	vld [tilespmem:s23+$0xE0]  }
0xdf: {  	v2 =	vshrl.u32 v2, $0x3;
	v14, _, _ =	vpop (xrf2);
	v15 =	vld [tilespmem:s24+$0xF0]  }
0xe0: {  	v2 =	vshll.u32 v2, v0;
	[tilespmem:v11+s30+$0x0] =	vst.idx.msk vm0, v14;
	v11 =	vld [tilespmem:s23+$0xF0];
	(xrf2) =	vadd.scan.msk.f32 $0xffff, v1  }
0xe1: {  	s10 =	sadd.s32 $0x3, s6;
	s6 =	smov.u32 s25;
	s25 =	smov.u32 s26;
	v2 =	vadd.s32 $0x2, v2;
	v1 =	vld [tilespmem:s5+$0x60]  }
0xe2: {  	s26 =	smov.u32 s9;
	v16 =	vmov s10;
	v2 =	vbroadcast v2, $0x0;
	v14 =	vld [tilespmem:s13+$0x60]  }
0xe3: {  	v16 =	vshrl.u32 v16, $0x3;
	v17 =	vld [tilespmem:s5+$0x70]  }
0xe4: {  	v7 =	vmul.f32 v8, v7;
	v8 =	vmul.f32 v12, v9;
	v9 =	vshll.u32 v16, v0;
	v18 =	vld [tilespmem:s13+$0x70]  }
0xe5: {  	v9 =	vadd.s32 $0x3, v9;
	v16 =	vmul.f32 v10, v13;
	v12 =	vld [tilespmem:s5+$0xFFFFFF40];
	v11 =	vmul.f32 v11, v15  }
0xe6: {  	v9 =	vbroadcast v9, $0x0;
	v13 =	vld [tilespmem:s13+$0xFFFFFF40]  }
0xe7: {  	v7 =	vadd.f32 v8, v7;
	v15 =	vld [tilespmem:s5+$0xFFFFFF50];
	v16 =	vadd.f32 v11, v16;
	v10, _, _ =	vpop (xrf2)  }
0xe8: {  	v3 =	vmul.f32 v4, v3;
	v4 =	vmul.f32 v6, v5;
	v11 =	vld [tilespmem:s13+$0xFFFFFF50];
	[tilespmem:v2+s30+$0x0] =	vst.idx.msk vm0, v10  }
0xe9: {  	v1 =	vmul.f32 v14, v1;
	v2 =	vld [tilespmem:s5+$0xFFFFFF60];
	v5 =	vmul.f32 v18, v17;
	v6 =	vadd.f32 v16, v7  }
0xea: {  	v7 =	vld [tilespmem:s13+$0xFFFFFF60];
	v8, _, _ =	vpop (xrf2)  }
0xeb: {  	s10 =	sadd.s32 $0x7, s6;
	v3 =	vadd.f32 v4, v3;
	v10 =	vmul.f32 v13, v12;
	v12 =	vld [tilespmem:s5+$0xFFFFFF70];
	v1 =	vadd.f32 v5, v1;
	(xrf2) =	vadd.scan.msk.f32 $0xffff, v6  }
0xec: {  	v5 =	vmov s10;
	v4 =	vld [tilespmem:s13+$0xFFFFFF70];
	[tilespmem:v9+s30+$0x0] =	vst.idx.msk vm0, v8  }
0xed: {  	v5 =	vshrl.u32 v5, $0x3;
	v6 =	vmul.f32 v11, v15;
	v1 =	vadd.f32 v1, v3;
	v3 =	vld [tilespmem:s24+$0xFFFFFFC0]  }
0xee: {  	v5 =	vshll.u32 v5, v0;
	v8 =	vld [tilespmem:s23+$0xFFFFFFC0]  }
0xef: {  	s10 =	sadd.s32 $0x5, s25;
	v5 =	vadd.s32 $0x7, v5;
	v6 =	vadd.f32 v6, v10;
	v2 =	vmul.f32 v7, v2;
	(xrf2) =	vadd.scan.msk.f32 $0xffff, v1;
	v1 =	vld [tilespmem:s24+$0xFFFFFFD0]  }
0xf0: {  	v7 =	vmov s10;
	v5 =	vbroadcast v5, $0x0;
	v9 =	vld [tilespmem:s23+$0xFFFFFFD0]  }
0xf1: {  	v7 =	vshrl.u32 v7, $0x3;
	v4 =	vmul.f32 v4, v12;
	v10 =	vld [tilespmem:s24+$0xFFFFFFE0]  }
0xf2: {  	s5 =	sadd.s32 $0x200, s5;
	v7 =	vshll.u32 v7, v0;
	v11 =	vld [tilespmem:s23+$0xFFFFFFE0]  }
0xf3: {  	s13 =	sadd.s32 $0x200, s13;
	v12 =	vld [tilespmem:s5+$0x0];
	v2 =	vadd.f32 v4, v2;
	v4 =	vadd.s32 $0x5, v7;
	v3 =	vmul.f32 v8, v3  }
0xf4: {  	v7 =	vld [tilespmem:s13+$0x0];
	v4 =	vbroadcast v4, $0x0  }
0xf5: {  	v8 =	vld [tilespmem:s5+$0x10];
	v2 =	vadd.f32 v2, v6;
	v1 =	vmul.f32 v9, v1;
	v6, _, _ =	vpop (xrf2)  }
0xf6: {  	v9 =	vld [tilespmem:s13+$0x10];
	[tilespmem:v5+s30+$0x0] =	vst.idx.msk vm0, v6  }
0xf7: {  	s10 =	sadd.s32 $0x1, s25;
	v5 =	vld [tilespmem:s5+$0x20];
	(xrf2) =	vadd.scan.msk.f32 $0xffff, v2;
	v1 =	vadd.f32 v1, v3;
	v2 =	vmul.f32 v11, v10  }
0xf8: {  	v6 =	vmov s10;
	v3 =	vld [tilespmem:s13+$0x20]  }
0xf9: {  	v6 =	vshrl.u32 v6, $0x3;
	v10 =	vld [tilespmem:s5+$0x30];
	v11, _, _ =	vpop (xrf2)  }
0xfa: {  	v6 =	vshll.u32 v6, v0;
	v13 =	vld [tilespmem:s13+$0x30];
	[tilespmem:v4+s30+$0x0] =	vst.idx.msk vm0, v11  }
0xfb: {  	v4 =	vadd.s32 $0x1, v6;
	v6 =	vld [tilespmem:s8+$0x80]  }
0xfc: {  	v4 =	vbroadcast v4, $0x0;
	v11 =	vld [tilespmem:s7+$0x80]  }
0xfd: {  	v14 =	vld [tilespmem:s8+$0x90]  }
0xfe: {  	v15 =	vld [tilespmem:s7+$0x90]  }
0xff: {  	v16 =	vld [tilespmem:s8+$0xA0]  }
0x100: {  	v17 =	vld [tilespmem:s7+$0xA0]  }
0x101: {  	v18 =	vld [tilespmem:s8+$0xB0];
	v19, _, _ =	vpop (xrf2)  }
0x102: {  	v7 =	vmul.f32 v7, v12;
	v8 =	vmul.f32 v9, v8;
	[tilespmem:v4+s30+$0x0] =	vst.idx.msk vm0, v19;
	v4 =	vld [tilespmem:s7+$0xB0]  }
0x103: {  	v3 =	vmul.f32 v3, v5;
	v5 =	vmul.f32 v13, v10;
	v9 =	vld [tilespmem:s13+$0xFFFFFF00]  }
0x104: {  	v10 =	vld [tilespmem:s5+$0xFFFFFF10]  }
0x105: {  	v7 =	vadd.f32 v8, v7;
	v3 =	vadd.f32 v5, v3;
	v12 =	vld [tilespmem:s13+$0xFFFFFF10]  }
0x106: {  	v6 =	vmul.f32 v11, v6;
	v8 =	vmul.f32 v15, v14;
	v5 =	vld [tilespmem:s5+$0xFFFFFF20]  }
0x107: {  	v3 =	vadd.f32 v3, v7;
	v7 =	vmul.f32 v17, v16;
	v11 =	vld [tilespmem:s13+$0xFFFFFF20];
	v4 =	vmul.f32 v4, v18  }
0x108: {  	v13 =	vld [tilespmem:s5+$0xFFFFFF30]  }
0x109: {  	s10 =	sadd.s32 $0x4, s9;
	v14 =	vld [tilespmem:s13+$0xFFFFFF30];
	(xrf2) =	vadd.scan.msk.f32 $0xffff, v3;
	v3 =	vadd.f32 v8, v6;
	v4 =	vadd.f32 v4, v7  }
0x10a: {  	v8 =	vmov s10;
	v6 =	vld [tilespmem:s5+$0xFFFFFF00];
	v7 =	vmul.f32 v12, v10  }
0x10b: {  	v8 =	vshrl.u32 v8, $0x3;
	v10 =	vld [tilespmem:s8+$0xFFFFFF80];
	v3 =	vadd.f32 v4, v3  }
0x10c: {  	v4 =	vmul.f32 v11, v5;
	v5 =	vshll.u32 v8, v0;
	v8 =	vld [tilespmem:s7+$0xFFFFFF80]  }
0x10d: {  	s10 =	sadd.s32 $0x6, s25;
	v5 =	vadd.s32 $0x4, v5;
	v11 =	vld [tilespmem:s8+$0xFFFFFF90];
	(xrf2) =	vadd.scan.msk.f32 $0xffff, v3  }
0x10e: {  	v3 =	vmul.f32 v14, v13;
	v5 =	vbroadcast v5, $0x0;
	v12 =	vld [tilespmem:s7+$0xFFFFFF90];
	v13 =	vmov s10  }
0x10f: {  	v6 =	vmul.f32 v9, v6;
	v9 =	vld [tilespmem:s8+$0xFFFFFFA0];
	v13 =	vshrl.u32 v13, $0x3  }
0x110: {  	v14 =	vadd.f32 v3, v4;
	v4 =	vld [tilespmem:s7+$0xFFFFFFA0];
	v13 =	vshll.u32 v13, v0  }
0x111: {  	v6 =	vadd.f32 v7, v6;
	v7 =	vmul.f32 v8, v10;
	v8 =	vld [tilespmem:s8+$0xFFFFFFB0];
	v10 =	vadd.s32 $0x6, v13  }
0x112: {  	v13 =	vld [tilespmem:s7+$0xFFFFFFB0];
	v10 =	vbroadcast v10, $0x0  }
0x113: {  	v6 =	vadd.f32 v14, v6;
	v3, _, _ =	vpop (xrf2);
	v11 =	vmul.f32 v12, v11;
	v12 =	vld [tilespmem:s24+$0xFFFFFFF0];
	s24 =	smov.u32 s8;
	s8 =	smov.u32 s5  }
0x114: {  	[tilespmem:v5+s30+$0x0] =	vst.idx.msk vm0, v3;
	v14 =	vld [tilespmem:s23+$0xFFFFFFF0];
	s23 =	smov.u32 s7;
	s7 =	smov.u32 s13  }
0x115: {  	v3 =	vld [tilespmem:s5+$0x40];
	(xrf2) =	vadd.scan.msk.f32 $0xffff, v6;
	v15 =	vadd.f32 v11, v7;
	v7 =	vmul.f32 v4, v9  }
0x116: {  	v4 =	vld [tilespmem:s13+$0x40]  }
.Ltmp0:
0x117: {  	v6 =	vmov s9;
	v5 =	vld [tilespmem:s5+$0x50];
	v8 =	vmul.f32 v13, v8;
	v9, _, _ =	vpop (xrf2);
	(pc) =	sbr.rel @p1 .LBB2_2-.Ltmp0, $4  }
0x118: {  	v11 =	vshrl.u32 v6, $0x3;
	v6 =	vld [tilespmem:s13+$0x50];
	[tilespmem:v10+s30+$0x0] =	vst.idx.msk vm0, v9  }
0x119: {  	v9 =	vshll.u32 v11, v0;
	v10 =	vadd.f32 v8, v7;
	v7 =	vld [tilespmem:s24+$0xC0];
	v12 =	vmul.f32 v14, v12  }
0x11a: {  	v11 =	vbroadcast v9, $0x0;
	v8 =	vld [tilespmem:s23+$0xC0]  }
0x11b: {  	s9 =	sadd.s32 $0x8, s9;
	v10 =	vadd.f32 v10, v15;
	v9 =	vld [tilespmem:s24+$0xD0];
	v2 =	vadd.f32 v12, v2  }
0x11c: {  	v12 =	vld [tilespmem:s23+$0xD0]  }
0x11d: {  	v13 =	vld [tilespmem:s24+$0xE0]  }
0x11e: {  	v14 =	vld [tilespmem:s23+$0xE0]  }
0x11f: {  	v15 =	vld [tilespmem:s24+$0xF0]  }
0x120: {  	v16 =	vld [tilespmem:s23+$0xF0]  }
0x121: {  	v17 =	vld [tilespmem:s5+$0x60]  }
0x122: {  	v18 =	vld [tilespmem:s13+$0x60]  }
0x123: {  	v20 =	vld [tilespmem:s5+$0x70];
	v19, _, _ =	vpop (xrf2)  }
0x124: {  	[tilespmem:v11+s30+$0x0] =	vst.idx.msk vm0, v19;
	v11 =	vld [tilespmem:s13+$0x70]  }
0x125: {  	v19 =	vld [tilespmem:s5+$0xFFFFFF40]  }
0x126: {  	v7 =	vmul.f32 v8, v7;
	v8 =	vmul.f32 v12, v9;
	v9 =	vld [tilespmem:s13+$0xFFFFFF40]  }
0x127: {  	v12 =	vmul.f32 v14, v13;
	v14 =	vld [tilespmem:s5+$0xFFFFFF50]  }
0x128: {  	v3 =	vmul.f32 v4, v3;
	v13 =	vmul.f32 v16, v15;
	v15 =	vld [tilespmem:s13+$0xFFFFFF50]  }
0x129: {  	v4 =	vmul.f32 v6, v5;
	v1 =	vadd.f32 v2, v1;
	v2 =	vld [tilespmem:s5+$0xFFFFFF60];
	v5 =	vmul.f32 v18, v17  }
0x12a: {  	v7 =	vadd.f32 v8, v7;
	v8 =	vadd.f32 v13, v12;
	v12 =	vld [tilespmem:s5+$0xFFFFFF70];
	v6 =	vmul.f32 v11, v20  }
0x12b: {  	v11 =	vld [tilespmem:s13+$0xFFFFFF60]  }
0x12c: {  	v3 =	vadd.f32 v4, v3;
	v4 =	vadd.f32 v6, v5;
	v6 =	vld [tilespmem:s13+$0xFFFFFF70]  }
0x12d: {  	(xrf2) =	vadd.scan.msk.f32 $0xffff, v10;
	v5 =	vadd.f32 v8, v7  }
0x12e: {  	(xrf2) =	vadd.scan.msk.f32 $0xffff, v1;
	v1 =	vadd.f32 v4, v3  }
0x12f: {  	(xrf2) =	vadd.scan.msk.f32 $0xffff, v5  }
0x130: {  	s10 =	sadd.s32 $0x5, s26;
	v3 =	vmul.f32 v15, v14;
	v2 =	vmul.f32 v11, v2;
	(xrf2) =	vadd.scan.msk.f32 $0xffff, v1  }
0x131: {  	v4 =	vmov s10;
	v1 =	vmul.f32 v9, v19;
	v5 =	vmul.f32 v6, v12  }
0x132: {  	v4 =	vshrl.u32 v4, $0x3  }
0x133: {  	v4 =	vshll.u32 v4, v0;
	v1 =	vadd.f32 v3, v1;
	v2 =	vadd.f32 v5, v2  }
0x134: {  	v3 =	vadd.s32 $0x5, v4  }
0x135: {  	v3 =	vbroadcast v3, $0x0;
	v2 =	vadd.f32 v2, v1;
	_ =	sdelay $0x1  }
0x136: {  	v4, _, _ =	vpop (xrf2)  }
0x137: {  	s13 =	sadd.s32 $0x1, s26;
	v1, _, _ =	vpop (xrf2);
	(xrf2) =	vadd.scan.msk.f32 $0xffff, v2  }
0x138: {  	v5 =	vmov s13;
	v2, _, _ =	vpop (xrf2)  }
0x139: {  	v5 =	vshrl.u32 v5, $0x3;
	v6, _, _ =	vpop (xrf2)  }
0x13a: {  	v5 =	vshll.u32 v5, v0;
	[tilespmem:v3+s30+$0x0] =	vst.idx.msk vm0, v6  }
0x13b: {  	v3 =	vadd.s32 $0x1, v5;
	v5 =	vld [tilespmem:s8+$0x80]  }
0x13c: {  	v3 =	vbroadcast v3, $0x0;
	v6 =	vld [tilespmem:s7+$0x80]  }
0x13d: {  	v7 =	vld [tilespmem:s8+$0x90]  }
0x13e: {  	v8 =	vld [tilespmem:s7+$0x90]  }
0x13f: {  	v9 =	vld [tilespmem:s8+$0xA0]  }
0x140: {  	v10 =	vld [tilespmem:s7+$0xA0]  }
0x141: {  	v11 =	vld [tilespmem:s8+$0xB0];
	v12, _, _ =	vpop (xrf2)  }
0x142: {  	[tilespmem:v3+s30+$0x0] =	vst.idx.msk vm0, v12;
	v3 =	vld [tilespmem:s7+$0xB0]  }
0x143: {  	v12 =	vld [tilespmem:s8+$0xFFFFFF80]  }
0x144: {  	v13 =	vld [tilespmem:s7+$0xFFFFFF80]  }
0x145: {  	s9 =	sadd.s32 $0x2, s25;
	v14 =	vld [tilespmem:s8+$0xFFFFFF90]  }
0x146: {  	v15 =	vmov s9;
	v5 =	vmul.f32 v6, v5;
	v6 =	vmul.f32 v8, v7;
	v7 =	vld [tilespmem:s7+$0xFFFFFF90]  }
0x147: {  	v8 =	vshrl.u32 v15, $0x3;
	v9 =	vmul.f32 v10, v9;
	v10 =	vld [tilespmem:s8+$0xFFFFFFA0];
	v3 =	vmul.f32 v3, v11  }
0x148: {  	v8 =	vshll.u32 v8, v0;
	v5 =	vadd.f32 v6, v5;
	v6 =	vld [tilespmem:s8+$0xFFFFFFB0]  }
0x149: {  	v8 =	vadd.s32 $0x2, v8;
	v11 =	vld [tilespmem:s7+$0xFFFFFFA0];
	v3 =	vadd.f32 v3, v9  }
0x14a: {  	v8 =	vbroadcast v8, $0x0;
	v9 =	vld [tilespmem:s7+$0xFFFFFFB0]  }
0x14b: {  	v3 =	vadd.f32 v3, v5;
	_ =	sdelay $0x1  }
0x14c: {  	s10 =	sadd.s32 $0x6, s26;
	(xrf2) =	vadd.scan.msk.f32 $0xffff, v3  }
0x14d: {  	v7 =	vmul.f32 v7, v14;
	v5 =	vmul.f32 v13, v12;
	v3 =	vmov s10  }
0x14e: {  	v10 =	vmul.f32 v11, v10;
	v3 =	vshrl.u32 v3, $0x3;
	v6 =	vmul.f32 v9, v6  }
0x14f: {  	[tilespmem:v8+s30+$0x0] =	vst.idx.msk vm0, v4;
	v3 =	vshll.u32 v3, v0  }
0x150: {  	v4 =	vld [tilespmem:s24+$0xFFFFFFC0];
	v5 =	vadd.f32 v7, v5;
	v3 =	vadd.s32 $0x6, v3;
	v6 =	vadd.f32 v6, v10  }
0x151: {  	v8 =	vld [tilespmem:s24+$0xFFFFFFD0];
	v3 =	vbroadcast v3, $0x0  }
0x152: {  	v13 =	vld [tilespmem:s23+$0xFFFFFFF0];
	v5 =	vadd.f32 v6, v5  }
0x153: {  	v11 =	vld [tilespmem:s24+$0xFFFFFFF0]  }
0x154: {  	s13 =	sadd.s32 $0x2, s26;
	v7 =	vld [tilespmem:s23+$0xFFFFFFC0];
	(xrf2) =	vadd.scan.msk.f32 $0xffff, v5  }
0x155: {  	v9 =	vld [tilespmem:s24+$0xFFFFFFE0];
	v10 =	vmov s13  }
0x156: {  	v10 =	vshrl.u32 v10, $0x3;
	v6 =	vld [tilespmem:s23+$0xFFFFFFD0];
	v12, _, _ =	vpop (xrf2)  }
0x157: {  	v5 =	vld [tilespmem:s23+$0xFFFFFFE0];
	[tilespmem:v3+s30+$0x0] =	vst.idx.msk vm0, v12;
	v3 =	vshll.u32 v10, v0  }
0x158: {  	v10 =	vld [tilespmem:s8+$0xC0];
	v3 =	vadd.s32 $0x2, v3  }
0x159: {  	v12 =	vld [tilespmem:s7+$0xC0];
	v3 =	vbroadcast v3, $0x0  }
0x15a: {  	v14 =	vld [tilespmem:s8+$0xD0]  }
0x15b: {  	v15 =	vld [tilespmem:s7+$0xD0]  }
0x15c: {  	v31 =	vld [tilespmem:s8+$0xE0]  }
0x15d: {  	v32 =	vld [tilespmem:s7+$0xE0]  }
0x15e: {  	v33 =	vld [tilespmem:s8+$0xF0];
	v34, _, _ =	vpop (xrf2)  }
0x15f: {  	v35 =	vld [tilespmem:s7+$0xF0];
	[tilespmem:v3+s30+$0x0] =	vst.idx.msk vm0, v34  }
0x160: {  	v3 =	vld [tilespmem:s8+$0xFFFFFFC0]  }
0x161: {  	v19 =	vld [tilespmem:s7+$0xFFFFFFC0]  }
0x162: {  	v21 =	vld [tilespmem:s8+$0xFFFFFFD0]  }
0x163: {  	v22 =	vld [tilespmem:s7+$0xFFFFFFD0]  }
0x164: {  	v23 =	vld [tilespmem:s8+$0xFFFFFFE0]  }
0x165: {  	v24 =	vld [tilespmem:s7+$0xFFFFFFE0]  }
0x166: {  	v25 =	vld [tilespmem:s8+$0xFFFFFFF0]  }
0x167: {  	v4 =	vmul.f32 v7, v4;
	v6 =	vmul.f32 v6, v8;
	v7 =	vld [tilespmem:s7+$0xFFFFFFF0]  }
0x168: {  	v8 =	vmul.f32 v13, v11;
	v5 =	vmul.f32 v5, v9  }
0x169: {  	v4 =	vadd.f32 v6, v4;
	v6 =	vmul.f32 v12, v10;
	v9 =	vmul.f32 v15, v14  }
0x16a: {  	s23 =	sadd.s32 $0x3, s6;
	v5 =	vadd.f32 v8, v5;
	v8 =	vmul.f32 v32, v31;
	v10 =	vmul.f32 v35, v33  }
0x16b: {  	v11 =	vmov s23;
	v3 =	vmul.f32 v19, v3;
	v12 =	vmul.f32 v22, v21  }
0x16c: {  	v4 =	vadd.f32 v5, v4;
	v5 =	vmul.f32 v24, v23;
	v7 =	vmul.f32 v7, v25  }
0x16d: {  	s24 =	sadd.s32 $0x7, s25;
	v11 =	vshrl.u32 v11, $0x3;
	v6 =	vadd.f32 v9, v6;
	v8 =	vadd.f32 v10, v8  }
0x16e: {  	v9 =	vmov s24;
	v3 =	vadd.f32 v12, v3;
	v5 =	vadd.f32 v7, v5  }
0x16f: {  	v9 =	vshrl.u32 v9, $0x3;
	v6 =	vadd.f32 v8, v6;
	v7 =	vshll.u32 v11, v0  }
0x170: {  	s25 =	sadd.s32 $0x3, s25;
	(xrf2) =	vadd.scan.msk.f32 $0xffff, v4;
	v8 =	vshll.u32 v9, v0;
	v7 =	vadd.s32 $0x3, v7;
	v3 =	vadd.f32 v5, v3  }
0x171: {  	s6 =	sadd.s32 $0x7, s26;
	(xrf2) =	vadd.scan.msk.f32 $0xffff, v6;
	v4 =	vbroadcast v7, $0x0;
	v5 =	vadd.s32 $0x7, v8;
	v7 =	vmov s25  }
0x172: {  	s7 =	sadd.s32 $0x3, s26;
	v5 =	vbroadcast v5, $0x0;
	v6 =	vshrl.u32 v7, $0x3;
	v7 =	vmov s6;
	(xrf2) =	vadd.scan.msk.f32 $0xffff, v3  }
0x173: {  	v3 =	vshll.u32 v6, v0;
	v6 =	vshrl.u32 v7, $0x3;
	v7 =	vmov s7  }
0x174: {  	v3 =	vadd.s32 $0x3, v3;
	v6 =	vshll.u32 v6, v0;
	v7 =	vshrl.u32 v7, $0x3  }
0x175: {  	v3 =	vbroadcast v3, $0x0;
	v6 =	vadd.s32 $0x7, v6;
	v7 =	vshll.u32 v7, v0  }
0x176: {  	v6 =	vbroadcast v6, $0x0;
	v7 =	vadd.s32 $0x3, v7  }
0x177: {  	v7 =	vbroadcast v7, $0x0;
	_ =	sdelay $0x1  }
0x178: {  	[tilespmem:v4+s30+$0x0] =	vst.idx.msk vm0, v1  }
0x179: {  	v1, _, _ =	vpop (xrf2);
	[tilespmem:v5+s30+$0x0] =	vst.idx.msk vm0, v2  }
0x17a: {  	[tilespmem:v3+s30+$0x0] =	vst.idx.msk vm0, v1;
	v1, _, _ =	vpop (xrf2)  }
0x17b: {  	[tilespmem:v6+s30+$0x0] =	vst.idx.msk vm0, v1;
	v1, _, _ =	vpop (xrf2)  }
0x17c: {  	[tilespmem:v7+s30+$0x0] =	vst.idx.msk vm0, v1  }
0x17d: {  	_ =	swait.ge [sflag:s31], $0x4000  }
0x17e: {  	[sflag:s31] =	ssyncset.done $0x0  }
0x17f: {  	[sflag:s31] =	ssyncadd.s32 $0xFFFFC000  }
0x180: {  	_ =	swait.ge [sflag:s0], $0x4000  }
0x181: {  	[sflag:s0] =	ssyncset.done $0x0  }
0x182: {  	s5 =	simm.s32 $0x0;
	[sflag:s0] =	ssyncadd.s32 $0xFFFFC000  }
0x183: {  	v1 =	vld [tilespmem:s5+$0x4500]  }
0x184: {  	v2 =	vld [tilespmem:s5+$0xC500]  }
0x185: {  	v3 =	vld [tilespmem:s5+$0x4510]  }
0x186: {  	v4 =	vld [tilespmem:s5+$0xC510]  }
0x187: {  	v5 =	vld [tilespmem:s5+$0x4520]  }
0x188: {  	v6 =	vld [tilespmem:s5+$0xC520]  }
0x189: {  	v7 =	vld [tilespmem:s5+$0x4530]  }
0x18a: {  	v8 =	vld [tilespmem:s5+$0xC530];
	_ =	sdelay $0x3  }
0x18b: {  	v1 =	vmul.f32 v2, v1;
	v2 =	vmul.f32 v4, v3  }
0x18c: {  	v3 =	vmul.f32 v6, v5;
	v4 =	vmul.f32 v8, v7;
	_ =	sdelay $0x1  }
0x18d: {  	v9 =	vld [tilespmem:s5+$0xC430];
	v1 =	vadd.f32 v2, v1;
	v2 =	vadd.f32 v4, v3  }
0x18e: {  	v5 =	vld [tilespmem:s5+$0x4400]  }
0x18f: {  	v6 =	vld [tilespmem:s5+$0x4420];
	v1 =	vadd.f32 v2, v1  }
0x190: {  	v8 =	vld [tilespmem:s5+$0x4430]  }
0x191: {  	s8 =	simm.s32 $0x104;
	v3 =	vld [tilespmem:s5+$0xC400];
	(xrf2) =	vadd.scan.msk.f32 $0xffff, v1  }
0x192: {  	v7 =	vmov s8;
	v4 =	vld [tilespmem:s5+$0x4410]  }
0x193: {  	v7 =	vshrl.u32 v7, $0x3;
	v2 =	vld [tilespmem:s5+$0xC410]  }
0x194: {  	v7 =	vshll.u32 v7, v0;
	v1 =	vld [tilespmem:s5+$0xC420]  }
0x195: {  	v7 =	vadd.s32 $0x4, v7  }
0x196: {  	v7 =	vbroadcast v7, $0x0  }
0x197: {  	v3 =	vmul.f32 v3, v5  }
0x198: {  	v2 =	vmul.f32 v2, v4  }
0x199: {  	v4 =	vmul.f32 v9, v8;
	v1 =	vmul.f32 v1, v6;
	_ =	sdelay $0x1  }
0x19a: {  	v2 =	vadd.f32 v2, v3;
	v1 =	vadd.f32 v4, v1;
	v3, _, _ =	vpop (xrf2)  }
0x19b: {  	[tilespmem:v7+s30+$0x0] =	vst.idx.msk vm0, v3  }
0x19c: {  	v1 =	vadd.f32 v1, v2;
	v2 =	vld [tilespmem:s5+$0x4540]  }
0x19d: {  	v3 =	vld [tilespmem:s5+$0xC540]  }
0x19e: {  	(xrf2) =	vadd.scan.msk.f32 $0xffff, v1;
	v1 =	vld [tilespmem:s5+$0x4550]  }
0x19f: {  	v4 =	vld [tilespmem:s5+$0xC550]  }
0x1a0: {  	v6 =	vld [tilespmem:s5+$0x4560]  }
0x1a1: {  	v7 =	vld [tilespmem:s5+$0xC560]  }
0x1a2: {  	s23 =	simm.s32 $0x100;
	v8 =	vld [tilespmem:s5+$0x4570]  }
0x1a3: {  	v5 =	vmov s23;
	v9 =	vld [tilespmem:s5+$0xC570]  }
0x1a4: {  	v5 =	vshrl.u32 v5, $0x3  }
0x1a5: {  	v5 =	vshll.u32 v5, v0  }
0x1a6: {  	v5 =	vbroadcast v5, $0x0  }
0x1a7: {  	v2 =	vmul.f32 v3, v2;
	v1 =	vmul.f32 v4, v1  }
0x1a8: {  	v4 =	vmul.f32 v7, v6;
	v6 =	vmul.f32 v9, v8  }
0x1a9: {  	s24 =	simm.s32 $0x200  }
0x1aa: {  	v10 =	vld [tilespmem:s24+$0x4500];
	v1 =	vadd.f32 v1, v2;
	v2 =	vadd.f32 v6, v4  }
0x1ab: {  	v11 =	vld [tilespmem:s24+$0xC500];
	v3, _, _ =	vpop (xrf2)  }
0x1ac: {  	v12 =	vld [tilespmem:s24+$0x4510];
	v1 =	vadd.f32 v2, v1;
	[tilespmem:v5+s30+$0x0] =	vst.idx.msk vm0, v3  }
0x1ad: {  	v3 =	vld [tilespmem:s5+$0x4440]  }
0x1ae: {  	s9 =	simm.s32 $0x105;
	v4 =	vld [tilespmem:s5+$0xC440];
	(xrf2) =	vadd.scan.msk.f32 $0xffff, v1  }
0x1af: {  	v7 =	vmov s9;
	v5 =	vld [tilespmem:s5+$0x4450]  }
0x1b0: {  	v7 =	vshrl.u32 v7, $0x3;
	v2 =	vld [tilespmem:s5+$0xC450]  }
0x1b1: {  	v7 =	vshll.u32 v7, v0;
	v6 =	vld [tilespmem:s5+$0x4460]  }
0x1b2: {  	v7 =	vadd.s32 $0x5, v7;
	v1 =	vld [tilespmem:s5+$0xC460]  }
0x1b3: {  	v7 =	vbroadcast v7, $0x0;
	v8 =	vld [tilespmem:s5+$0x4470]  }
0x1b4: {  	v9 =	vld [tilespmem:s5+$0xC470]  }
0x1b5: {  	v13 =	vld [tilespmem:s24+$0xC510]  }
0x1b6: {  	v14 =	vld [tilespmem:s24+$0x4520]  }
0x1b7: {  	v15 =	vld [tilespmem:s24+$0xC520]  }
0x1b8: {  	v36 =	vld [tilespmem:s24+$0x4530];
	v3 =	vmul.f32 v4, v3;
	v2 =	vmul.f32 v2, v5;
	v37, _, _ =	vpop (xrf2)  }
0x1b9: {  	v4 =	vld [tilespmem:s24+$0xC530];
	v1 =	vmul.f32 v1, v6;
	v5 =	vmul.f32 v9, v8;
	[tilespmem:v7+s30+$0x0] =	vst.idx.msk vm0, v37  }
0x1ba: {  	v6 =	vld [tilespmem:s5+$0x4580]  }
0x1bb: {  	v2 =	vadd.f32 v2, v3;
	v1 =	vadd.f32 v5, v1;
	v7 =	vld [tilespmem:s5+$0xC580]  }
0x1bc: {  	v3 =	vld [tilespmem:s5+$0x4590]  }
0x1bd: {  	v1 =	vadd.f32 v1, v2;
	v5 =	vld [tilespmem:s5+$0xC590]  }
0x1be: {  	v2 =	vld [tilespmem:s5+$0x45A0]  }
0x1bf: {  	s10 =	simm.s32 $0x101;
	v10 =	vmul.f32 v11, v10;
	v11 =	vmul.f32 v13, v12;
	(xrf2) =	vadd.scan.msk.f32 $0xffff, v1;
	v9 =	vld [tilespmem:s5+$0x45B0]  }
0x1c0: {  	v13 =	vmul.f32 v15, v14;
	v4 =	vmul.f32 v4, v36;
	v1 =	vmov s10;
	v12 =	vld [tilespmem:s5+$0xC5B0]  }
0x1c1: {  	v8 =	vld [tilespmem:s5+$0xC5A0];
	v1 =	vshrl.u32 v1, $0x3  }
0x1c2: {  	v10 =	vadd.f32 v11, v10;
	v4 =	vadd.f32 v4, v13;
	v1 =	vshll.u32 v1, v0  }
0x1c3: {  	v14 =	vld [tilespmem:s24+$0x4400];
	v1 =	vadd.s32 $0x1, v1  }
0x1c4: {  	v11 =	vld [tilespmem:s24+$0xC400];
	v4 =	vadd.f32 v4, v10;
	v1 =	vbroadcast v1, $0x0  }
0x1c5: {  	v10 =	vld [tilespmem:s24+$0x4430];
	v6 =	vmul.f32 v7, v6;
	v7 =	vmul.f32 v12, v9  }
0x1c6: {  	(xrf2) =	vadd.scan.msk.f32 $0xffff, v4;
	v4 =	vld [tilespmem:s24+$0xC420];
	v3 =	vmul.f32 v5, v3;
	v2 =	vmul.f32 v8, v2  }
0x1c7: {  	s13 =	simm.s32 $0x10C;
	v5 =	vld [tilespmem:s24+$0x4410]  }
0x1c8: {  	v8 =	vld [tilespmem:s24+$0xC410];
	v3 =	vadd.f32 v3, v6;
	v2 =	vadd.f32 v7, v2;
	v6 =	vmov s13  }
0x1c9: {  	v9 =	vld [tilespmem:s24+$0x4420];
	v6 =	vshrl.u32 v6, $0x3;
	v7, _, _ =	vpop (xrf2)  }
0x1ca: {  	v2 =	vadd.f32 v2, v3;
	v3 =	vshll.u32 v6, v0;
	[tilespmem:v1+s30+$0x0] =	vst.idx.msk vm0, v7;
	v1 =	vld [tilespmem:s24+$0xC430]  }
0x1cb: {  	v3 =	vadd.s32 $0x4, v3;
	v6 =	vld [tilespmem:s5+$0x4480]  }
0x1cc: {  	(xrf2) =	vadd.scan.msk.f32 $0xffff, v2;
	v2 =	vld [tilespmem:s5+$0xC480];
	v3 =	vbroadcast v3, $0x0  }
0x1cd: {  	v12 =	vld [tilespmem:s5+$0x4490]  }
0x1ce: {  	s25 =	simm.s32 $0x106;
	v13 =	vld [tilespmem:s5+$0xC490]  }
0x1cf: {  	v11 =	vmul.f32 v11, v14;
	v7 =	vmov s25;
	v14 =	vld [tilespmem:s5+$0x44A0]  }
0x1d0: {  	v4 =	vmul.f32 v4, v9;
	v7 =	vshrl.u32 v7, $0x3;
	v9 =	vld [tilespmem:s5+$0x44B0]  }
0x1d1: {  	v5 =	vmul.f32 v8, v5;
	v15 =	vld [tilespmem:s5+$0xC4B0];
	v7 =	vshll.u32 v7, v0;
	v1 =	vmul.f32 v1, v10;
	v10, _, _ =	vpop (xrf2)  }
0x1d2: {  	v8 =	vld [tilespmem:s5+$0xC4A0];
	v7 =	vadd.s32 $0x6, v7;
	[tilespmem:v3+s30+$0x0] =	vst.idx.msk vm0, v10  }
0x1d3: {  	v7 =	vbroadcast v7, $0x0;
	v3 =	vadd.f32 v5, v11;
	v1 =	vadd.f32 v1, v4;
	v4 =	vld [tilespmem:s24+$0x4540]  }
0x1d4: {  	v5 =	vld [tilespmem:s24+$0xC540]  }
0x1d5: {  	v11 =	vld [tilespmem:s24+$0xC550];
	v1 =	vadd.f32 v1, v3  }
0x1d6: {  	v9 =	vmul.f32 v15, v9;
	v15 =	vld [tilespmem:s24+$0x4560]  }
0x1d7: {  	v38 =	vld [tilespmem:s24+$0xC560];
	v10, _, _ =	vpop (xrf2);
	(xrf2) =	vadd.scan.msk.f32 $0xffff, v1  }
0x1d8: {  	s25 =	simm.s32 $0x108;
	v40 =	vld [tilespmem:s24+$0x4570]  }
0x1d9: {  	v2 =	vmul.f32 v2, v6;
	v6 =	vmul.f32 v13, v12;
	v3 =	vld [tilespmem:s24+$0x4550];
	[tilespmem:v7+s30+$0x0] =	vst.idx.msk vm0, v10;
	v10 =	vmov s25  }
0x1da: {  	v1 =	vld [tilespmem:s5+$0x45C0];
	v10 =	vshrl.u32 v10, $0x3  }
0x1db: {  	v8 =	vmul.f32 v8, v14;
	v2 =	vadd.f32 v6, v2;
	v7 =	vld [tilespmem:s5+$0xC5C0];
	v6 =	vshll.u32 v10, v0  }
0x1dc: {  	v12 =	vld [tilespmem:s5+$0x45D0];
	v6 =	vbroadcast v6, $0x0  }
0x1dd: {  	v8 =	vadd.f32 v9, v8;
	v13 =	vld [tilespmem:s5+$0xC5D0]  }
0x1de: {  	v9 =	vld [tilespmem:s5+$0x45E0]  }
0x1df: {  	v2 =	vadd.f32 v8, v2;
	v8 =	vld [tilespmem:s5+$0x45F0]  }
0x1e0: {  	v14 =	vld [tilespmem:s5+$0xC5F0]  }
0x1e1: {  	v10 =	vld [tilespmem:s5+$0xC5E0];
	v39, _, _ =	vpop (xrf2)  }
0x1e2: {  	[tilespmem:v6+s30+$0x0] =	vst.idx.msk vm0, v39;
	v6 =	vld [tilespmem:s24+$0xC570]  }
0x1e3: {  	s26 =	simm.s32 $0x102;
	(xrf2) =	vadd.scan.msk.f32 $0xffff, v2  }
0x1e4: {  	v2 =	vmov s26;
	s26 =	simm.s32 $0x400;
	v4 =	vmul.f32 v5, v4;
	v3 =	vmul.f32 v11, v3  }
0x1e5: {  	v41 =	vld [tilespmem:s26+$0xC500];
	v1 =	vmul.f32 v7, v1;
	v7 =	vmul.f32 v13, v12  }
0x1e6: {  	v42 =	vld [tilespmem:s26+$0x4510];
	v8 =	vmul.f32 v14, v8;
	v9 =	vmul.f32 v10, v9  }
0x1e7: {  	v43 =	vld [tilespmem:s26+$0xC510];
	v11 =	vmul.f32 v38, v15;
	v6 =	vmul.f32 v6, v40  }
0x1e8: {  	v44 =	vld [tilespmem:s26+$0x4520];
	v1 =	vadd.f32 v7, v1;
	v7 =	vadd.f32 v8, v9  }
0x1e9: {  	v2 =	vshrl.u32 v2, $0x3;
	v45 =	vld [tilespmem:s26+$0xC520];
	v3 =	vadd.f32 v3, v4;
	v4 =	vadd.f32 v6, v11  }
0x1ea: {  	v46 =	vld [tilespmem:s26+$0xC530];
	v2 =	vshll.u32 v2, v0;
	v1 =	vadd.f32 v7, v1  }
0x1eb: {  	v51 =	vld [tilespmem:s26+$0x4400];
	v2 =	vadd.s32 $0x2, v2;
	v3 =	vadd.f32 v4, v3  }
0x1ec: {  	v2 =	vbroadcast v2, $0x0;
	v17 =	vld [tilespmem:s24+$0x4440];
	(xrf2) =	vadd.scan.msk.f32 $0xffff, v1  }
0x1ed: {  	s7 =	simm.s32 $0x10D;
	v10 =	vld [tilespmem:s24+$0x4450];
	v9, _, _ =	vpop (xrf2);
	(xrf2) =	vadd.scan.msk.f32 $0xffff, v3  }
0x1ee: {  	v13 =	vld [tilespmem:s24+$0xC450];
	v6 =	vmov s7  }
0x1ef: {  	v5 =	vld [tilespmem:s24+$0x4460];
	v6 =	vshrl.u32 v6, $0x3  }
0x1f0: {  	v8 =	vld [tilespmem:s24+$0xC460];
	v6 =	vshll.u32 v6, v0  }
0x1f1: {  	v14 =	vld [tilespmem:s24+$0x4470];
	v6 =	vadd.s32 $0x5, v6  }
0x1f2: {  	[tilespmem:v2+s30+$0x0] =	vst.idx.msk vm0, v9;
	v2 =	vld [tilespmem:s24+$0xC470];
	v6 =	vbroadcast v6, $0x0  }
0x1f3: {  	v12 =	vld [tilespmem:s24+$0xC440]  }
0x1f4: {  	v52 =	vld [tilespmem:s26+$0xC400]  }
0x1f5: {  	v53 =	vld [tilespmem:s26+$0x4410]  }
0x1f6: {  	v54 =	vld [tilespmem:s26+$0xC410];
	v10 =	vmul.f32 v13, v10;
	v13, _, _ =	vpop (xrf2)  }
0x1f7: {  	v15 =	vld [tilespmem:s26+$0x4500];
	v5 =	vmul.f32 v8, v5;
	v2 =	vmul.f32 v2, v14;
	v14, _, _ =	vpop (xrf2)  }
0x1f8: {  	v12 =	vmul.f32 v12, v17;
	v8 =	vld [tilespmem:s26+$0x4530];
	[tilespmem:v6+s30+$0x0] =	vst.idx.msk vm0, v14  }
0x1f9: {  	v2 =	vadd.f32 v2, v5;
	v5 =	vld [tilespmem:s24+$0x4580]  }
0x1fa: {  	v6 =	vadd.f32 v10, v12;
	v10 =	vld [tilespmem:s24+$0xC580]  }
0x1fb: {  	v12 =	vld [tilespmem:s24+$0xC590]  }
0x1fc: {  	v47 =	vld [tilespmem:s24+$0xC5A0]  }
0x1fd: {  	v48 =	vld [tilespmem:s24+$0x45B0];
	v2 =	vadd.f32 v2, v6  }
0x1fe: {  	s8 =	simm.s32 $0x109;
	v50 =	vld [tilespmem:s24+$0xC5B0]  }
0x1ff: {  	v49 =	vmul.f32 v43, v42;
	v15 =	vmul.f32 v41, v15;
	v14 =	vmov s8;
	v6 =	vld [tilespmem:s24+$0x4590];
	(xrf2) =	vadd.scan.msk.f32 $0xffff, v2  }
0x200: {  	v17 =	vmul.f32 v45, v44;
	v8 =	vmul.f32 v46, v8;
	v14 =	vshrl.u32 v14, $0x3;
	v2 =	vld [tilespmem:s24+$0x45A0]  }
0x201: {  	v56 =	vld [tilespmem:s26+$0x4430];
	v14 =	vshll.u32 v14, v0  }
0x202: {  	v15 =	vadd.f32 v49, v15;
	v1 =	vld [tilespmem:s5+$0xC4C0];
	v8 =	vadd.f32 v8, v17;
	v14 =	vadd.s32 $0x1, v14  }
0x203: {  	v7 =	vld [tilespmem:s5+$0xC4D0];
	v14 =	vbroadcast v14, $0x0  }
0x204: {  	v9 =	vld [tilespmem:s5+$0x44E0];
	v8 =	vadd.f32 v8, v15;
	v5 =	vmul.f32 v10, v5;
	v6 =	vmul.f32 v12, v6  }
0x205: {  	v62 =	vld [tilespmem:s5+$0x44F0];
	v12 =	vmul.f32 v50, v48;
	v2 =	vmul.f32 v47, v2  }
0x206: {  	s9 =	simm.s32 $0x114;
	v4 =	vld [tilespmem:s5+$0x44C0];
	(xrf2) =	vadd.scan.msk.f32 $0xffff, v8  }
0x207: {  	v3 =	vld [tilespmem:s5+$0x44D0];
	v8 =	vmov s9;
	v5 =	vadd.f32 v6, v5;
	v2 =	vadd.f32 v12, v2  }
0x208: {  	v15 =	vld [tilespmem:s26+$0xC420];
	v8 =	vshrl.u32 v8, $0x3  }
0x209: {  	v10 =	vld [tilespmem:s26+$0x4420];
	v2 =	vadd.f32 v2, v5;
	v5 =	vshll.u32 v8, v0;
	v55, _, _ =	vpop (xrf2)  }
0x20a: {  	s13 =	simm.s32 $0x10E;
	v6 =	vld [tilespmem:s26+$0xC430];
	v5 =	vadd.s32 $0x4, v5;
	[tilespmem:v14+s30+$0x0] =	vst.idx.msk vm0, v55  }
0x20b: {  	v57 =	vmov s13;
	v5 =	vbroadcast v5, $0x0;
	v12 =	vld [tilespmem:s24+$0x4480]  }
0x20c: {  	s10 =	simm.s32 $0x107;
	v22 =	vshrl.u32 v57, $0x3;
	v8 =	vld [tilespmem:s24+$0xC480]  }
0x20d: {  	v22 =	vshll.u32 v22, v0;
	v14 =	vmov s10;
	(xrf2) =	vadd.scan.msk.f32 $0xffff, v2;
	v17 =	vld [tilespmem:s24+$0x4490]  }
0x20e: {  	v19 =	vmul.f32 v52, v51;
	v16 =	vmul.f32 v54, v53;
	v2 =	vshrl.u32 v14, $0x3;
	v14 =	vld [tilespmem:s24+$0xC490]  }
0x20f: {  	v10 =	vmul.f32 v15, v10;
	v6 =	vmul.f32 v6, v56;
	v58 =	vld [tilespmem:s24+$0x44A0];
	v2 =	vshll.u32 v2, v0  }
0x210: {  	v22 =	vadd.s32 $0x6, v22;
	v15, _, _ =	vpop (xrf2);
	v59 =	vld [tilespmem:s24+$0xC4A0];
	v2 =	vadd.s32 $0x7, v2  }
0x211: {  	v60 =	vld [tilespmem:s24+$0x44B0];
	v6 =	vadd.f32 v6, v10;
	v2 =	vbroadcast v2, $0x0;
	[tilespmem:v5+s30+$0x0] =	vst.idx.msk vm0, v15;
	v5 =	vadd.f32 v16, v19  }
0x212: {  	v22 =	vbroadcast v22, $0x0;
	v1 =	vmul.f32 v1, v4;
	v61 =	vld [tilespmem:s24+$0xC4B0]  }
0x213: {  	v11 =	vld [tilespmem:s5+$0xC4E0];
	v4 =	vmul.f32 v7, v3;
	v7 =	vmul.f32 v8, v12;
	v8 =	vadd.f32 v6, v5  }
0x214: {  	v15 =	vld [tilespmem:s5+$0xC4F0]  }
0x215: {  	v3 =	vld [tilespmem:s26+$0x4540];
	(xrf2) =	vadd.scan.msk.f32 $0xffff, v8  }
0x216: {  	s13 =	simm.s32 $0x110;
	v1 =	vadd.f32 v4, v1;
	v10 =	vmul.f32 v14, v17;
	v4 =	vld [tilespmem:s26+$0xC540]  }
0x217: {  	v14 =	vmul.f32 v61, v60;
	v5 =	vld [tilespmem:s26+$0x4550];
	[tilespmem:v2+s30+$0x0] =	vst.idx.msk vm0, v13;
	v2 =	vmov s13;
	v12, _, _ =	vpop (xrf2);
	v13 =	vmul.f32 v59, v58  }
0x218: {  	v6 =	vld [tilespmem:s26+$0xC550];
	v63 =	vshrl.u32 v2, $0x3;
	[tilespmem:v22+s30+$0x0] =	vst.idx.msk vm0, v12;
	v2 =	vmul.f32 v11, v9;
	v9 =	vadd.f32 v10, v7  }
0x219: {  	v12 =	vmul.f32 v15, v62;
	v10 =	vshll.u32 v63, v0;
	v7 =	vld [tilespmem:s24+$0x45C0];
	v11 =	vadd.f32 v14, v13  }
0x21a: {  	s6 =	simm.s32 $0x118;
	s5 =	simm.s32 $0x1000;
	v8 =	vld [tilespmem:s24+$0xC5C0];
	v10 =	vbroadcast v10, $0x0  }
.LBB2_4:
0x21b: {  	p1 =	slt.u32 s6, $0x1F8;
	v9 =	vadd.f32 v11, v9;
	v11 =	vld [tilespmem:s24+$0x45D0];
	v2 =	vadd.f32 v12, v2  }
0x21c: {  	v12 =	vld [tilespmem:s24+$0xC5D0]  }
0x21d: {  	s7 =	sadd.s32 $0x2, s25;
	v13 =	vld [tilespmem:s24+$0x45E0];
	(xrf2) =	vadd.scan.msk.f32 $0xffff, v9;
	v1 =	vadd.f32 v2, v1  }
0x21e: {  	v2 =	vmov s7;
	v9 =	vld [tilespmem:s24+$0xC5E0]  }
0x21f: {  	v2 =	vshrl.u32 v2, $0x3;
	v14, _, _ =	vpop (xrf2);
	v15 =	vld [tilespmem:s24+$0x45F0]  }
0x220: {  	v2 =	vshll.u32 v2, v0;
	[tilespmem:v10+s30+$0x0] =	vst.idx.msk vm0, v14;
	v10 =	vld [tilespmem:s24+$0xC5F0];
	(xrf2) =	vadd.scan.msk.f32 $0xffff, v1  }
0x221: {  	s7 =	sadd.s32 $0x3, s23;
	s23 =	smov.u32 s25;
	s25 =	smov.u32 s13;
	v2 =	vadd.s32 $0x2, v2;
	v1 =	vld [tilespmem:s26+$0x4560]  }
0x222: {  	s13 =	smov.u32 s6;
	v16 =	vmov s7;
	v2 =	vbroadcast v2, $0x0;
	v14 =	vld [tilespmem:s26+$0xC560]  }
0x223: {  	v16 =	vshrl.u32 v16, $0x3;
	v17 =	vld [tilespmem:s26+$0x4570]  }
0x224: {  	v7 =	vmul.f32 v8, v7;
	v8 =	vmul.f32 v12, v11;
	v11 =	vshll.u32 v16, v0;
	v18 =	vld [tilespmem:s26+$0xC570]  }
0x225: {  	v11 =	vadd.s32 $0x3, v11;
	v16 =	vmul.f32 v9, v13;
	v12 =	vld [tilespmem:s26+$0x4440];
	v10 =	vmul.f32 v10, v15  }
0x226: {  	v11 =	vbroadcast v11, $0x0;
	v13 =	vld [tilespmem:s26+$0xC440]  }
0x227: {  	v7 =	vadd.f32 v8, v7;
	v15 =	vld [tilespmem:s26+$0x4450];
	v16 =	vadd.f32 v10, v16;
	v9, _, _ =	vpop (xrf2)  }
0x228: {  	v3 =	vmul.f32 v4, v3;
	v4 =	vmul.f32 v6, v5;
	v10 =	vld [tilespmem:s26+$0xC450];
	[tilespmem:v2+s30+$0x0] =	vst.idx.msk vm0, v9  }
0x229: {  	v1 =	vmul.f32 v14, v1;
	v2 =	vld [tilespmem:s26+$0x4460];
	v5 =	vmul.f32 v18, v17;
	v6 =	vadd.f32 v16, v7  }
0x22a: {  	v7 =	vld [tilespmem:s26+$0xC460];
	v8, _, _ =	vpop (xrf2)  }
0x22b: {  	s7 =	sadd.s32 $0x7, s23;
	v3 =	vadd.f32 v4, v3;
	v9 =	vmul.f32 v13, v12;
	v12 =	vld [tilespmem:s26+$0x4470];
	v1 =	vadd.f32 v5, v1;
	(xrf2) =	vadd.scan.msk.f32 $0xffff, v6  }
0x22c: {  	v5 =	vmov s7;
	v4 =	vld [tilespmem:s26+$0xC470];
	[tilespmem:v11+s30+$0x0] =	vst.idx.msk vm0, v8  }
0x22d: {  	v5 =	vshrl.u32 v5, $0x3;
	v6 =	vmul.f32 v10, v15;
	v1 =	vadd.f32 v1, v3;
	v3 =	vld [tilespmem:s24+$0x44C0]  }
0x22e: {  	v5 =	vshll.u32 v5, v0;
	v8 =	vld [tilespmem:s24+$0xC4C0]  }
0x22f: {  	s7 =	sadd.s32 $0x5, s25;
	v5 =	vadd.s32 $0x7, v5;
	v6 =	vadd.f32 v6, v9;
	v2 =	vmul.f32 v7, v2;
	(xrf2) =	vadd.scan.msk.f32 $0xffff, v1;
	v1 =	vld [tilespmem:s24+$0x44D0]  }
0x230: {  	v7 =	vmov s7;
	v5 =	vbroadcast v5, $0x0;
	v9 =	vld [tilespmem:s24+$0xC4D0]  }
0x231: {  	s5 =	sadd.s32 $0x800, s5;
	v7 =	vshrl.u32 v7, $0x3;
	v4 =	vmul.f32 v4, v12;
	v10 =	vld [tilespmem:s24+$0x44E0]  }
0x232: {  	s7 =	sshra.s32 s5, $0x2;
	v7 =	vshll.u32 v7, v0;
	v11 =	vld [tilespmem:s24+$0xC4E0]  }
0x233: {  	v12 =	vld [tilespmem:s7+$0x4500];
	v2 =	vadd.f32 v4, v2;
	v4 =	vadd.s32 $0x5, v7;
	v3 =	vmul.f32 v8, v3  }
0x234: {  	v7 =	vld [tilespmem:s7+$0xC500];
	v4 =	vbroadcast v4, $0x0  }
0x235: {  	v8 =	vld [tilespmem:s7+$0x4510];
	v2 =	vadd.f32 v2, v6;
	v1 =	vmul.f32 v9, v1;
	v6, _, _ =	vpop (xrf2)  }
0x236: {  	v9 =	vld [tilespmem:s7+$0xC510];
	[tilespmem:v5+s30+$0x0] =	vst.idx.msk vm0, v6  }
0x237: {  	s8 =	sadd.s32 $0x1, s25;
	v5 =	vld [tilespmem:s7+$0x4520];
	(xrf2) =	vadd.scan.msk.f32 $0xffff, v2;
	v1 =	vadd.f32 v1, v3;
	v2 =	vmul.f32 v11, v10  }
0x238: {  	v6 =	vmov s8;
	v3 =	vld [tilespmem:s7+$0xC520]  }
0x239: {  	v6 =	vshrl.u32 v6, $0x3;
	v10 =	vld [tilespmem:s7+$0x4530];
	v11, _, _ =	vpop (xrf2)  }
0x23a: {  	v6 =	vshll.u32 v6, v0;
	v13 =	vld [tilespmem:s7+$0xC530];
	[tilespmem:v4+s30+$0x0] =	vst.idx.msk vm0, v11  }
0x23b: {  	v4 =	vadd.s32 $0x1, v6;
	v6 =	vld [tilespmem:s26+$0x4580]  }
0x23c: {  	v4 =	vbroadcast v4, $0x0;
	v11 =	vld [tilespmem:s26+$0xC580]  }
0x23d: {  	v14 =	vld [tilespmem:s26+$0x4590]  }
0x23e: {  	v15 =	vld [tilespmem:s26+$0xC590]  }
0x23f: {  	v16 =	vld [tilespmem:s26+$0x45A0]  }
0x240: {  	v17 =	vld [tilespmem:s26+$0xC5A0]  }
0x241: {  	v18 =	vld [tilespmem:s26+$0x45B0];
	v19, _, _ =	vpop (xrf2)  }
0x242: {  	v7 =	vmul.f32 v7, v12;
	v8 =	vmul.f32 v9, v8;
	[tilespmem:v4+s30+$0x0] =	vst.idx.msk vm0, v19;
	v4 =	vld [tilespmem:s26+$0xC5B0]  }
0x243: {  	v3 =	vmul.f32 v3, v5;
	v5 =	vmul.f32 v13, v10;
	v9 =	vld [tilespmem:s7+$0x4400]  }
0x244: {  	v10 =	vld [tilespmem:s7+$0xC400]  }
0x245: {  	v7 =	vadd.f32 v8, v7;
	v3 =	vadd.f32 v5, v3;
	v12 =	vld [tilespmem:s7+$0x4410]  }
0x246: {  	v6 =	vmul.f32 v11, v6;
	v8 =	vmul.f32 v15, v14;
	v5 =	vld [tilespmem:s7+$0xC410]  }
0x247: {  	v3 =	vadd.f32 v3, v7;
	v7 =	vmul.f32 v17, v16;
	v11 =	vld [tilespmem:s7+$0x4420];
	v4 =	vmul.f32 v4, v18  }
0x248: {  	v13 =	vld [tilespmem:s7+$0xC420]  }
0x249: {  	s8 =	sadd.s32 $0x4, s6;
	v9 =	vmul.f32 v10, v9;
	v10 =	vld [tilespmem:s7+$0x4430];
	(xrf2) =	vadd.scan.msk.f32 $0xffff, v3;
	v3 =	vadd.f32 v8, v6;
	v4 =	vadd.f32 v4, v7  }
0x24a: {  	v7 =	vmov s8;
	v6 =	vld [tilespmem:s7+$0xC430]  }
0x24b: {  	v7 =	vshrl.u32 v7, $0x3;
	v5 =	vmul.f32 v5, v12;
	v8 =	vld [tilespmem:s26+$0x4480];
	v3 =	vadd.f32 v4, v3  }
0x24c: {  	v4 =	vshll.u32 v7, v0;
	v7 =	vld [tilespmem:s26+$0xC480]  }
0x24d: {  	s8 =	sadd.s32 $0x6, s25;
	v4 =	vadd.s32 $0x4, v4;
	v5 =	vadd.f32 v5, v9;
	v9 =	vmul.f32 v13, v11;
	v11 =	vld [tilespmem:s26+$0x4490];
	(xrf2) =	vadd.scan.msk.f32 $0xffff, v3  }
0x24e: {  	v12 =	vmov s8;
	v3 =	vbroadcast v4, $0x0;
	v4 =	vld [tilespmem:s26+$0xC490]  }
0x24f: {  	v12 =	vshrl.u32 v12, $0x3;
	v6 =	vmul.f32 v6, v10;
	v10 =	vld [tilespmem:s26+$0x44A0]  }
0x250: {  	v12 =	vshll.u32 v12, v0;
	v13 =	vld [tilespmem:s26+$0xC4A0]  }
0x251: {  	v15 =	vadd.f32 v6, v9;
	v7 =	vmul.f32 v7, v8;
	v8 =	vld [tilespmem:s26+$0x44B0];
	v9 =	vadd.s32 $0x6, v12  }
0x252: {  	v12 =	vld [tilespmem:s26+$0xC4B0];
	v14 =	vbroadcast v9, $0x0  }
0x253: {  	v5 =	vadd.f32 v15, v5;
	v6, _, _ =	vpop (xrf2);
	v4 =	vmul.f32 v4, v11;
	v15 =	vld [tilespmem:s24+$0x44F0]  }
0x254: {  	[tilespmem:v3+s30+$0x0] =	vst.idx.msk vm0, v6;
	v16 =	vld [tilespmem:s24+$0xC4F0];
	s24 =	smov.u32 s26;
	s26 =	smov.u32 s7  }
0x255: {  	v3 =	vld [tilespmem:s26+$0x4540];
	(xrf2) =	vadd.scan.msk.f32 $0xffff, v5;
	v9 =	vadd.f32 v4, v7;
	v7 =	vmul.f32 v13, v10  }
.Ltmp1:
0x256: {  	v4 =	vld [tilespmem:s26+$0xC540];
	(pc) =	sbr.rel @p1 .LBB2_4-.Ltmp1, $4  }
0x257: {  	v6 =	vmov s6;
	v5 =	vld [tilespmem:s26+$0x4550];
	v8 =	vmul.f32 v12, v8;
	v10, _, _ =	vpop (xrf2)  }
0x258: {  	v11 =	vshrl.u32 v6, $0x3;
	v6 =	vld [tilespmem:s26+$0xC550];
	[tilespmem:v14+s30+$0x0] =	vst.idx.msk vm0, v10  }
0x259: {  	v10 =	vshll.u32 v11, v0;
	v11 =	vadd.f32 v8, v7;
	v7 =	vld [tilespmem:s24+$0x45C0];
	v12 =	vmul.f32 v16, v15  }
0x25a: {  	s6 =	sadd.s32 $0x8, s6;
	v10 =	vbroadcast v10, $0x0;
	v8 =	vld [tilespmem:s24+$0xC5C0]  }
0x25b: {  	v13 =	vld [tilespmem:s24+$0x45D0]  }
0x25c: {  	v14 =	vld [tilespmem:s24+$0xC5D0]  }
0x25d: {  	v15 =	vld [tilespmem:s24+$0x45E0]  }
0x25e: {  	v16 =	vld [tilespmem:s24+$0xC5E0]  }
0x25f: {  	v17 =	vld [tilespmem:s24+$0x45F0]  }
0x260: {  	v18 =	vld [tilespmem:s24+$0xC5F0]  }
0x261: {  	v19 =	vld [tilespmem:s26+$0x4560]  }
0x262: {  	v20 =	vld [tilespmem:s26+$0xC560]  }
0x263: {  	v22 =	vld [tilespmem:s26+$0x4570];
	v21, _, _ =	vpop (xrf2)  }
0x264: {  	v24 =	vld [tilespmem:s26+$0xC570];
	[tilespmem:v10+s30+$0x0] =	vst.idx.msk vm0, v21  }
0x265: {  	v21 =	vld [tilespmem:s26+$0x4440]  }
0x266: {  	v26 =	vld [tilespmem:s26+$0xC440]  }
0x267: {  	v2 =	vadd.f32 v12, v2;
	v3 =	vmul.f32 v4, v3;
	v31 =	vmul.f32 v6, v5;
	v29 =	vld [tilespmem:s26+$0x4450]  }
0x268: {  	v7 =	vmul.f32 v8, v7;
	v25 =	vmul.f32 v14, v13;
	v30 =	vld [tilespmem:s26+$0xC450]  }
0x269: {  	v1 =	vadd.f32 v2, v1;
	v27 =	vmul.f32 v16, v15;
	v28 =	vmul.f32 v18, v17;
	v2 =	vld [tilespmem:s26+$0x4460]  }
0x26a: {  	v9 =	vadd.f32 v11, v9;
	v32 =	vmul.f32 v20, v19;
	v33 =	vmul.f32 v24, v22;
	v35 =	vld [tilespmem:s26+$0xC460]  }
0x26b: {  	v36 =	vld [tilespmem:s26+$0x4470];
	v7 =	vadd.f32 v25, v7;
	v34 =	vadd.f32 v28, v27  }
0x26c: {  	v3 =	vadd.f32 v31, v3;
	v39 =	vld [tilespmem:s26+$0xC470];
	v37 =	vadd.f32 v33, v32  }
0x26d: {  	(xrf2) =	vadd.scan.msk.f32 $0xffff, v9;
	v38 =	vadd.f32 v34, v7  }
0x26e: {  	(xrf2) =	vadd.scan.msk.f32 $0xffff, v1;
	v1 =	vadd.f32 v37, v3  }
0x26f: {  	(xrf2) =	vadd.scan.msk.f32 $0xffff, v38  }
0x270: {  	s5 =	sadd.s32 $0x5, s13;
	v3 =	vmul.f32 v30, v29;
	v2 =	vmul.f32 v35, v2;
	(xrf2) =	vadd.scan.msk.f32 $0xffff, v1  }
0x271: {  	v40 =	vmov s5;
	v41 =	vmul.f32 v39, v36;
	v1 =	vmul.f32 v26, v21  }
0x272: {  	v4 =	vshrl.u32 v40, $0x3  }
0x273: {  	v4 =	vshll.u32 v4, v0;
	v2 =	vadd.f32 v41, v2;
	v1 =	vadd.f32 v3, v1  }
0x274: {  	v3 =	vadd.s32 $0x5, v4  }
0x275: {  	v3 =	vbroadcast v3, $0x0;
	v2 =	vadd.f32 v2, v1;
	_ =	sdelay $0x1  }
0x276: {  	v42, _, _ =	vpop (xrf2)  }
0x277: {  	s6 =	sadd.s32 $0x1, s13;
	v1, _, _ =	vpop (xrf2);
	(xrf2) =	vadd.scan.msk.f32 $0xffff, v2  }
0x278: {  	v43 =	vmov s6;
	v2, _, _ =	vpop (xrf2)  }
0x279: {  	v5 =	vshrl.u32 v43, $0x3;
	v44, _, _ =	vpop (xrf2)  }
0x27a: {  	v5 =	vshll.u32 v5, v0;
	[tilespmem:v3+s30+$0x0] =	vst.idx.msk vm0, v44  }
0x27b: {  	v3 =	vadd.s32 $0x1, v5;
	v45 =	vld [tilespmem:s26+$0x4580]  }
0x27c: {  	v3 =	vbroadcast v3, $0x0;
	v6 =	vld [tilespmem:s26+$0xC580]  }
0x27d: {  	v46 =	vld [tilespmem:s26+$0x4590]  }
0x27e: {  	v47 =	vld [tilespmem:s26+$0xC590]  }
0x27f: {  	v48 =	vld [tilespmem:s26+$0x45A0]  }
0x280: {  	v49 =	vld [tilespmem:s26+$0xC5A0]  }
0x281: {  	v50 =	vld [tilespmem:s26+$0x45B0];
	v51, _, _ =	vpop (xrf2)  }
0x282: {  	[tilespmem:v3+s30+$0x0] =	vst.idx.msk vm0, v51;
	v3 =	vld [tilespmem:s26+$0xC5B0]  }
0x283: {  	v12 =	vld [tilespmem:s26+$0x4480]  }
0x284: {  	v52 =	vld [tilespmem:s26+$0xC480]  }
0x285: {  	s7 =	sadd.s32 $0x2, s25;
	v53 =	vld [tilespmem:s26+$0x4490]  }
0x286: {  	v54 =	vmov s7;
	v5 =	vmul.f32 v6, v45;
	v55 =	vmul.f32 v47, v46;
	v56 =	vld [tilespmem:s26+$0xC490]  }
0x287: {  	v57 =	vshrl.u32 v54, $0x3;
	v9 =	vmul.f32 v49, v48;
	v58 =	vld [tilespmem:s26+$0x44A0];
	v3 =	vmul.f32 v3, v50  }
0x288: {  	v8 =	vshll.u32 v57, v0;
	v59 =	vld [tilespmem:s26+$0xC4A0]  }
0x289: {  	v8 =	vadd.s32 $0x2, v8;
	v5 =	vadd.f32 v55, v5;
	v60 =	vld [tilespmem:s26+$0x44B0];
	v3 =	vadd.f32 v3, v9  }
0x28a: {  	v8 =	vbroadcast v8, $0x0;
	v61 =	vld [tilespmem:s26+$0xC4B0]  }
0x28b: {  	v3 =	vadd.f32 v3, v5;
	_ =	sdelay $0x1  }
0x28c: {  	s8 =	sadd.s32 $0x6, s13;
	(xrf2) =	vadd.scan.msk.f32 $0xffff, v3  }
0x28d: {  	v62 =	vmul.f32 v52, v12;
	v7 =	vmul.f32 v56, v53;
	v3 =	vmov s8  }
0x28e: {  	v10 =	vmul.f32 v59, v58;
	v6 =	vmul.f32 v61, v60;
	v3 =	vshrl.u32 v3, $0x3  }
0x28f: {  	[tilespmem:v8+s30+$0x0] =	vst.idx.msk vm0, v42;
	v3 =	vshll.u32 v3, v0  }
0x290: {  	v4 =	vld [tilespmem:s24+$0x44C0];
	v6 =	vadd.f32 v6, v10;
	v5 =	vadd.f32 v7, v62;
	v3 =	vadd.s32 $0x6, v3  }
0x291: {  	v63 =	vld [tilespmem:s24+$0xC4C0];
	v3 =	vbroadcast v3, $0x0  }
0x292: {  	v8 =	vld [tilespmem:s24+$0x44D0];
	v5 =	vadd.f32 v6, v5  }
0x293: {  	v28 =	vld [tilespmem:s24+$0xC4D0]  }
0x294: {  	s9 =	sadd.s32 $0x2, s13;
	v29 =	vld [tilespmem:s24+$0x44E0];
	(xrf2) =	vadd.scan.msk.f32 $0xffff, v5  }
0x295: {  	v31 =	vmov s9;
	v30 =	vld [tilespmem:s24+$0xC4E0]  }
0x296: {  	v32 =	vld [tilespmem:s24+$0x44F0];
	v10 =	vshrl.u32 v31, $0x3;
	v33, _, _ =	vpop (xrf2)  }
0x297: {  	v34 =	vld [tilespmem:s24+$0xC4F0];
	[tilespmem:v3+s30+$0x0] =	vst.idx.msk vm0, v33;
	v3 =	vshll.u32 v10, v0  }
0x298: {  	v35 =	vld [tilespmem:s26+$0x45C0];
	v3 =	vadd.s32 $0x2, v3  }
0x299: {  	v12 =	vld [tilespmem:s26+$0xC5C0];
	v3 =	vbroadcast v3, $0x0  }
0x29a: {  	v36 =	vld [tilespmem:s26+$0x45D0]  }
0x29b: {  	v37 =	vld [tilespmem:s26+$0xC5D0]  }
0x29c: {  	v38 =	vld [tilespmem:s26+$0x45E0]  }
0x29d: {  	v39 =	vld [tilespmem:s26+$0xC5E0]  }
0x29e: {  	v40 =	vld [tilespmem:s26+$0x45F0];
	v41, _, _ =	vpop (xrf2)  }
0x29f: {  	v42 =	vld [tilespmem:s26+$0xC5F0];
	[tilespmem:v3+s30+$0x0] =	vst.idx.msk vm0, v41  }
0x2a0: {  	v3 =	vld [tilespmem:s26+$0x44C0]  }
0x2a1: {  	v19 =	vld [tilespmem:s26+$0xC4C0]  }
0x2a2: {  	v43 =	vld [tilespmem:s26+$0x44D0]  }
0x2a3: {  	v44 =	vld [tilespmem:s26+$0xC4D0]  }
0x2a4: {  	v23 =	vld [tilespmem:s26+$0x44E0]  }
0x2a5: {  	v24 =	vld [tilespmem:s26+$0xC4E0]  }
0x2a6: {  	v25 =	vld [tilespmem:s26+$0x44F0]  }
0x2a7: {  	v4 =	vmul.f32 v63, v4;
	v6 =	vmul.f32 v28, v8;
	v45 =	vld [tilespmem:s26+$0xC4F0]  }
0x2a8: {  	v46 =	vmul.f32 v34, v32;
	v5 =	vmul.f32 v30, v29  }
0x2a9: {  	v4 =	vadd.f32 v6, v4;
	v47 =	vmul.f32 v12, v35;
	v48 =	vmul.f32 v37, v36  }
0x2aa: {  	s10 =	sadd.s32 $0x3, s23;
	s23 =	sadd.s32 $0x7, s25;
	v5 =	vadd.f32 v46, v5;
	v49 =	vmul.f32 v39, v38;
	v50 =	vmul.f32 v42, v40  }
0x2ab: {  	v54 =	vmov s23;
	v3 =	vmul.f32 v19, v3;
	v52 =	vmul.f32 v44, v43  }
0x2ac: {  	v4 =	vadd.f32 v5, v4;
	v53 =	vmul.f32 v24, v23;
	v7 =	vmul.f32 v45, v25  }
0x2ad: {  	v51 =	vmov s10;
	v6 =	vadd.f32 v48, v47;
	v8 =	vadd.f32 v50, v49  }
0x2ae: {  	v11 =	vshrl.u32 v51, $0x3;
	v3 =	vadd.f32 v52, v3;
	v5 =	vadd.f32 v7, v53  }
0x2af: {  	s24 =	sadd.s32 $0x3, s25;
	v55 =	vshll.u32 v11, v0;
	v9 =	vshrl.u32 v54, $0x3;
	v6 =	vadd.f32 v8, v6  }
0x2b0: {  	s25 =	sadd.s32 $0x7, s13;
	v59 =	vmov s24;
	v56 =	vshll.u32 v9, v0;
	(xrf2) =	vadd.scan.msk.f32 $0xffff, v4;
	v3 =	vadd.f32 v5, v3  }
0x2b1: {  	v61 =	vmov s25;
	v60 =	vshrl.u32 v59, $0x3;
	v58 =	vadd.s32 $0x7, v56;
	s26 =	sadd.s32 $0x3, s13;
	(xrf2) =	vadd.scan.msk.f32 $0xffff, v6  }
0x2b2: {  	v62 =	vshrl.u32 v61, $0x3;
	v63 =	vmov s26;
	v7 =	vadd.s32 $0x3, v55;
	(xrf2) =	vadd.scan.msk.f32 $0xffff, v3  }
0x2b3: {  	v6 =	vshll.u32 v62, v0;
	v57 =	vbroadcast v7, $0x0;
	v3 =	vshll.u32 v60, v0  }
0x2b4: {  	v7 =	vshrl.u32 v63, $0x3;
	v5 =	vbroadcast v58, $0x0;
	v3 =	vadd.s32 $0x3, v3  }
0x2b5: {  	v6 =	vadd.s32 $0x7, v6;
	v7 =	vshll.u32 v7, v0;
	v3 =	vbroadcast v3, $0x0  }
0x2b6: {  	v6 =	vbroadcast v6, $0x0;
	v7 =	vadd.s32 $0x3, v7  }
0x2b7: {  	v7 =	vbroadcast v7, $0x0;
	_ =	sdelay $0x1  }
0x2b8: {  	[tilespmem:v57+s30+$0x0] =	vst.idx.msk vm0, v1  }
0x2b9: {  	v1, _, _ =	vpop (xrf2);
	[tilespmem:v5+s30+$0x0] =	vst.idx.msk vm0, v2  }
0x2ba: {  	s22 =	sadd.s32 $0x1, s22;
	[tilespmem:v3+s30+$0x0] =	vst.idx.msk vm0, v1;
	v1, _, _ =	vpop (xrf2)  }
0x2bb: {  	p1 =	sne.s32 s22, s12;
	[tilespmem:v6+s30+$0x0] =	vst.idx.msk vm0, v1;
	v1, _, _ =	vpop (xrf2)  }
.Ltmp2:
0x2bc: {  	[tilespmem:v7+s30+$0x0] =	vst.idx.msk vm0, v1;
	(pc) =	sbr.rel @p1 .LBB2_1-.Ltmp2, $4  }
0x2bd: {  	[hbm4b:s11+s4] =	stream.linear.scatter [tilespmem:s30], [sflag:$0xB], $0x200, $0x38;
	[tilespmem:$0x12540] =	vst v63  }
0x2be: {  	_ =	swait.ge [sflag:s3], $0x200  }
0x2bf: {  	[sflag:s3] =	ssyncset.done $0x0  }
0x2c0: {  	[sflag:s3] =	ssyncadd.s32 $0xFFFFFE00  }
0x2c1: {  	_ =	sfence.sel $0x180000  }
0x2c2: {  	[bflag:$0x0] =	sbarrier.arrive $0xFFFF  }
0x2c3: {  	_ =	strace $0x90000047  }
0x2c4: {  	s0 =	stileid.u32;
	[bflag:$0x2] =	sbarrier.arrive $0xFFFF  }
0x2c5: {  	p0 =	sne.s32 s0, $0x0;
	s0 =	rddreg [dreg:$0x6]  }
0x2c6: {  	s0 =	sadd.s32 @!p0 $0x100000, s0  }
0x2c7: {  	[sflag:s0] =	ssyncadd.tile.s32 @!p0 $0x1;
	_ =	shalt  }
.Lfunc_end2:
_tile_overlayer_lowered:
.L_overlay_start_2:
0x2c8: {  	(tag) =	ssettag $0x2  }
0x2c9: {  	s0 =	rddreg [dreg:$0x0];
	s2 =	stileid.u32  }
0x2ca: {  	s1 =	rddreg [dreg:$0x1];
	p0 =	sne.s32 s2, $0x0  }
0x2cb: {  	s3 =	rddreg [dreg:$0x2];
	[bflag:$0x3] =	sbarrier.arrive $0xFFFF;
	s2 =	simm.s32 @!p0 $0x1C0B  }
0x2cc: {  	[timem:s3], [sflag:s2] =	dma.local @!p0 [hbm:s0], s1  }
0x2cd: {  	s0 =	simm.s32 @!p0 $0xB  }
0x2ce: {  	_ =	swait.ge @!p0 [sflag:s0], s1  }
0x2cf: {  	s1 =	ssub.s32 @!p0 $0x0, s1;
	[sflag:s0] =	ssyncset.done @!p0 $0x0  }
0x2d0: {  	[sflag:s0] =	ssyncadd.s32 @!p0 s1  }
0x2d1: {  	[bflag:$0x3] =	sbarrier.arrive $0xFFFF  }
0x2d2: {  	_ =	shalt  }

</sc_bundles>
